<compile_context>
chip_gen: v7x
topology: tpu7x:2x2x1
jax: 0.10.2.dev20260603
libtpu: 0.0.44.dev20260713+nightly
codegen_flags: <defaults>
</compile_context>

<pallas_src>
import functools

import jax
import jax.numpy as jnp
from jax import lax
from jax.experimental import pallas as pl
from jax.experimental.pallas import tpu as pltpu
from jax.experimental.pallas import tpu_sc as plsc


def _dense_body(x_ref, w1_ref, w2_ref, y_ref):
    wc = lax.dot_general(
        w2_ref[...], w1_ref[...], (((1,), (0,)), ((), ())),
        preferred_element_type=jnp.float32)
    y_ref[...] = lax.dot_general(
        x_ref[...], wc, (((1,), (1,)), ((), ())),
        preferred_element_type=jnp.float32)


def _node_transform(x, w1, w2):
    n, _ = x.shape
    out_ch = w2.shape[0]
    return pl.pallas_call(
        _dense_body,
        out_shape=jax.ShapeDtypeStruct((n, out_ch), jnp.float32),
    )(x, w1, w2)


def _make_sc_gather(n_nodes, n_edges, d, chunk, nbuf, look):
    info = plsc.get_sparse_core_info()
    nc, ns = info.num_cores, info.num_subcores
    nw = nc * ns
    assert n_edges % nw == 0
    per_w = n_edges // nw
    assert per_w % chunk == 0 and chunk % 8 == 0 and chunk <= 128
    n_chunks = per_w // chunk
    n_main = n_chunks - n_chunks % nbuf
    assert n_main >= nbuf and 0 < look < nbuf
    n_stagers = ns
    while n_nodes % n_stagers or (n_nodes // n_stagers) % 8:
        n_stagers -= 1
    stage_rows = n_nodes // n_stagers
    mesh = plsc.VectorSubcoreMesh(core_axis_name="c", subcore_axis_name="s")

    @functools.partial(
        pl.kernel,
        out_type=jax.ShapeDtypeStruct((n_edges, d), jnp.float32),
        mesh=mesh,
        scratch_types=(
            [pltpu.VMEM((per_w,), jnp.int32),
             pltpu.VMEM((nbuf, chunk, d), jnp.float32),
             pltpu.VMEM_SHARED((n_nodes, d), jnp.float32)]
            + [pltpu.SemaphoreType.DMA] * (2 * nbuf)
        ),
    )
    def gather(y_hbm, row_hbm, out_hbm, idx_v, rows_v, y_sp, *sems):
        gsem, ssem = sems[:nbuf], sems[nbuf:]
        sid = lax.axis_index("s")
        wid = sid * nc + lax.axis_index("c")
        base = wid * per_w
        @pl.when(sid < n_stagers)
        def _():
            off = pl.multiple_of(sid * stage_rows, 8)
            pltpu.sync_copy(y_hbm.at[pl.ds(off, stage_rows)],
                            y_sp.at[pl.ds(off, stage_rows)])

        pltpu.sync_copy(row_hbm.at[pl.ds(base, per_w)], idx_v)
        plsc.subcore_barrier()

        def issue_gather(j, b):
            pltpu.async_copy(
                y_sp.at[idx_v.at[pl.ds(j * chunk, chunk)]],
                rows_v.at[b], gsem[b])

        def wait_gather(b):
            pltpu.make_async_copy(
                y_sp.at[idx_v.at[pl.ds(0, chunk)]],
                rows_v.at[b], gsem[b]).wait()

        def issue_store(i, b):
            pltpu.async_copy(
                rows_v.at[b], out_hbm.at[pl.ds(base + i * chunk, chunk)],
                ssem[b])

        def wait_store(b):
            pltpu.make_async_copy(
                rows_v.at[b], out_hbm.at[pl.ds(base, chunk)],
                ssem[b]).wait()

        for b in range(look):
            issue_gather(b, b)

        @pl.loop(0, n_main, step=nbuf)
        def _(g):
            for b in range(nbuf):
                i = g + b
                bj = (b + look) % nbuf

                @pl.when(i + look < n_chunks)
                def _():
                    @pl.when(i >= nbuf - look)
                    def _():
                        wait_store(bj)
                    issue_gather(i + look, bj)

                wait_gather(b)
                issue_store(i, b)

        for i in range(n_main, n_chunks):
            wait_gather(i % nbuf)
            issue_store(i, i % nbuf)

        for b in range(nbuf):
            wait_store(b)

    return gather


def kernel(x, edge_index, W_node_to_edge, W_edge):
    row = edge_index[0].astype(jnp.int32)
    y = _node_transform(x, W_node_to_edge, W_edge)
    n_edges = row.shape[0]
    d = y.shape[1]
    gather = _make_sc_gather(y.shape[0], n_edges, d, chunk=40, nbuf=5, look=4)
    return gather(y, row)

# --- scband reference (transcript-rebuilt; emitter-appended) ---
"""Pipeline reference for scband-edge-aggregation-layer-59184649339042 (READ-ONLY COPY).

The authoritative reference and input builder live on the scoring server;
editing this copy changes nothing except your own understanding.
"""

import jax, jax.numpy as jnp
import numpy as np

N_NODES = 10000
N_EDGES = 320000
IN_CH = 128
EDGE_IN_CH = 128
OUT_CH = 128

def setup_inputs(seed: int = 0) -> dict:
    key = jax.random.key(seed)
    k1, k2, k3, k4 = jax.random.split(key, 4)
    x = jax.random.normal(k1, (N_NODES, IN_CH), dtype=jnp.float32)
    edge_index = jax.random.randint(k2, (2, N_EDGES), 0, N_NODES, dtype=jnp.int64)
    # Linear weights (torch Linear stores weight as [out_features, in_features])
    bound1 = 1.0 / np.sqrt(IN_CH)
    W_node_to_edge = jax.random.uniform(k3, (EDGE_IN_CH, IN_CH), dtype=jnp.float32, minval=-bound1, maxval=bound1)
    bound2 = 1.0 / np.sqrt(EDGE_IN_CH)
    W_edge = jax.random.uniform(k4, (OUT_CH, EDGE_IN_CH), dtype=jnp.float32, minval=-bound2, maxval=bound2)
    return {"x": x, "edge_index": edge_index, "W_node_to_edge": W_node_to_edge, "W_edge": W_edge}

def reference(x, edge_index, W_node_to_edge, W_edge):
    row = edge_index[0]
    # gather source-node features per edge (SparseCore gather)
    gathered = jnp.take(x, row, axis=0)
    edge_features = gathered @ W_node_to_edge.T
    edge_features = edge_features @ W_edge.T
    return edge_features

if __name__ == "__main__":
    import jax
    _d = setup_inputs()
    print(jax.jit(kernel)(*tuple(_d.values())))

</pallas_src>

<mosaic_0001>
#map = affine_map<(d0, d1) -> (0, 0)>
#map1 = affine_map<(d0, d1) -> (0)>
module attributes {stable_mosaic.version = 14 : i64} {
  func.func @gather(%arg0: i32, %arg1: i32, %arg2: memref<10000x128xf32, #tpu.memory_space<hbm>>, %arg3: memref<320000xi32, #tpu.memory_space<hbm>>, %arg4: memref<320000x128xf32, #tpu.memory_space<hbm>>, %arg5: memref<10000xi32, #tpu.memory_space<vmem>>, %arg6: memref<5x40x128xf32, #tpu.memory_space<vmem>>, %arg7: memref<10000x128xf32, #tpu.memory_space<vmem_shared>>, %arg8: memref<!tpu.dma_semaphore, #tpu.memory_space<semaphore_mem>>, %arg9: memref<!tpu.dma_semaphore, #tpu.memory_space<semaphore_mem>>, %arg10: memref<!tpu.dma_semaphore, #tpu.memory_space<semaphore_mem>>, %arg11: memref<!tpu.dma_semaphore, #tpu.memory_space<semaphore_mem>>, %arg12: memref<!tpu.dma_semaphore, #tpu.memory_space<semaphore_mem>>, %arg13: memref<!tpu.dma_semaphore, #tpu.memory_space<semaphore_mem>>, %arg14: memref<!tpu.dma_semaphore, #tpu.memory_space<semaphore_mem>>, %arg15: memref<!tpu.dma_semaphore, #tpu.memory_space<semaphore_mem>>, %arg16: memref<!tpu.dma_semaphore, #tpu.memory_space<semaphore_mem>>, %arg17: memref<!tpu.dma_semaphore, #tpu.memory_space<semaphore_mem>>) attributes {dimension_semantics = [#tpu.dimension_semantics<core_parallel>, #tpu.dimension_semantics<subcore_parallel>], iteration_bounds = array<i64: 2, 16>, scalar_prefetch = 0 : i64, scratch_operands = 13 : i64, tpu.core_type = #tpu.core_type<sc_vector_subcore>, window_params = [{transform_indices = #map}, {transform_indices = #map1}, {transform_indices = #map}]} {
    %mul3A = arith.constant 2 : i32
    %mul3A_0 = arith.muli %arg1, %mul3A : i32
    %add3A = arith.addi %mul3A_0, %arg0 : i32
    %mul3A_1 = arith.constant 10000 : i32
    %mul3A_2 = arith.muli %add3A, %mul3A_1 : i32
    %lt3A = arith.constant 10 : i32
    %lt3A_3 = arith.cmpi slt, %arg1, %lt3A : i32
    %convert_element_type3A = arith.extui %lt3A_3 : i1 to i32
    %cond3A = arith.constant 0 : i32
    %cond3A_4 = arith.cmpi ne, %convert_element_type3A, %cond3A : i32
    scf.if %cond3A_4 {
      %mul3A_112 = arith.constant 1000 : i32
      %mul3A_113 = arith.muli %arg1, %mul3A_112 : i32
      %multiple_of3A = tpu.assume_multiple %mul3A_113, 8 : i32
      "tpu.region"() ({
        %run_scoped3A = tpu.sem_alloc : memref<!tpu.dma_semaphore, #tpu.memory_space<semaphore_mem>>
        %dma_start3A_114 = arith.constant 0 : i32
        %dma_start3A_115 = tpu.memref_slice %arg7[%multiple_of3A, %dma_start3A_114] : memref<10000x128xf32, #tpu.memory_space<vmem_shared>> -> memref<1000x128xf32, #tpu.memory_space<vmem_shared>>
        %dma_start3A_116 = arith.constant 0 : i32
        %dma_start3A_117 = tpu.memref_slice %arg2[%multiple_of3A, %dma_start3A_116] : memref<10000x128xf32, #tpu.memory_space<hbm>> -> memref<1000x128xf32, #tpu.memory_space<hbm>>
        tpu.enqueue_dma source(%dma_start3A_117 : memref<1000x128xf32, #tpu.memory_space<hbm>>) target(%dma_start3A_115 : memref<1000x128xf32, #tpu.memory_space<vmem_shared>>) target_semaphore(%run_scoped3A : memref<!tpu.dma_semaphore, #tpu.memory_space<semaphore_mem>>)
        %dma_wait3A_118 = arith.constant 0 : i32
        %dma_wait3A_119 = tpu.memref_slice %arg7[%multiple_of3A, %dma_wait3A_118] : memref<10000x128xf32, #tpu.memory_space<vmem_shared>> -> memref<1000x128xf32, #tpu.memory_space<vmem_shared>>
        %dma_wait3A_120 = arith.constant 0 : i32
        %dma_wait3A_121 = tpu.memref_slice %arg2[%multiple_of3A, %dma_wait3A_120] : memref<10000x128xf32, #tpu.memory_space<hbm>> -> memref<1000x128xf32, #tpu.memory_space<hbm>>
        tpu.wait_dma2 semaphore(%run_scoped3A : memref<!tpu.dma_semaphore, #tpu.memory_space<semaphore_mem>>) src(%dma_wait3A_121 : memref<1000x128xf32, #tpu.memory_space<hbm>>) dst(%dma_wait3A_119 : memref<1000x128xf32, #tpu.memory_space<vmem_shared>>)
        tpu.yield
      }) : () -> ()
    } else {
    }
    "tpu.region"() ({
      %run_scoped3A = tpu.sem_alloc : memref<!tpu.dma_semaphore, #tpu.memory_space<semaphore_mem>>
      %dma_start3A_112 = tpu.memref_slice %arg3[%mul3A_2] : memref<320000xi32, #tpu.memory_space<hbm>> -> memref<10000xi32, #tpu.memory_space<hbm>>
      %dma_start3A_113 = tpu.memref_slice %arg3[%mul3A_2] : memref<320000xi32, #tpu.memory_space<hbm>> -> memref<10000xi32, #tpu.memory_space<hbm>>
      tpu.enqueue_dma source(%dma_start3A_113 : memref<10000xi32, #tpu.memory_space<hbm>>) target(%arg5 : memref<10000xi32, #tpu.memory_space<vmem>>) target_semaphore(%run_scoped3A : memref<!tpu.dma_semaphore, #tpu.memory_space<semaphore_mem>>)
      %dma_wait3A_114 = tpu.memref_slice %arg3[%mul3A_2] : memref<320000xi32, #tpu.memory_space<hbm>> -> memref<10000xi32, #tpu.memory_space<hbm>>
      %dma_wait3A_115 = tpu.memref_slice %arg3[%mul3A_2] : memref<320000xi32, #tpu.memory_space<hbm>> -> memref<10000xi32, #tpu.memory_space<hbm>>
      tpu.wait_dma2 semaphore(%run_scoped3A : memref<!tpu.dma_semaphore, #tpu.memory_space<semaphore_mem>>) src(%dma_wait3A_115 : memref<10000xi32, #tpu.memory_space<hbm>>) dst(%arg5 : memref<10000xi32, #tpu.memory_space<vmem>>)
      tpu.yield
    }) : () -> ()
    %barrier3A = arith.constant 0 : index
    tpu.barrier barrier_id(%barrier3A)
    %dma_start3A = arith.constant 0 : i32
    %dma_start3A_5 = arith.constant 0 : i32
    %dma_start3A_6 = arith.constant 0 : i32
    %dma_start3A_7 = tpu.memref_slice %arg6[%dma_start3A, %dma_start3A_5, %dma_start3A_6] : memref<5x40x128xf32, #tpu.memory_space<vmem>> -> memref<1x40x128xf32, #tpu.memory_space<vmem>>
    %dma_start3A_8 = tpu.memref_squeeze %dma_start3A_7 : memref<1x40x128xf32, #tpu.memory_space<vmem>> -> memref<40x128xf32, #tpu.memory_space<vmem>>
    %dma_start3A_9 = arith.constant 0 : i32
    %dma_start3A_10 = tpu.memref_slice %arg5[%dma_start3A_9] : memref<10000xi32, #tpu.memory_space<vmem>> -> memref<40xi32, #tpu.memory_space<vmem>>
    %dma_start3A_11 = arith.constant 0 : i32
    %dma_start3A_12 = arith.constant 0 : i32
    %dma_start3A_13 = tpu.memref_slice %arg7[%dma_start3A_11, %dma_start3A_12] : memref<10000x128xf32, #tpu.memory_space<vmem_shared>> -> memref<10000x128xf32, #tpu.memory_space<vmem_shared>>
    tpu.enqueue_indirect_dma source(%dma_start3A_13 : memref<10000x128xf32, #tpu.memory_space<vmem_shared>>) target(%dma_start3A_8 : memref<40x128xf32, #tpu.memory_space<vmem>>) offsets(%dma_start3A_10 : memref<40xi32, #tpu.memory_space<vmem>>) semaphore(%arg8 : memref<!tpu.dma_semaphore, #tpu.memory_space<semaphore_mem>>)
    %dma_start3A_14 = arith.constant 1 : i32
    %dma_start3A_15 = arith.constant 0 : i32
    %dma_start3A_16 = arith.constant 0 : i32
    %dma_start3A_17 = tpu.memref_slice %arg6[%dma_start3A_14, %dma_start3A_15, %dma_start3A_16] : memref<5x40x128xf32, #tpu.memory_space<vmem>> -> memref<1x40x128xf32, #tpu.memory_space<vmem>>
    %dma_start3A_18 = tpu.memref_squeeze %dma_start3A_17 : memref<1x40x128xf32, #tpu.memory_space<vmem>> -> memref<40x128xf32, #tpu.memory_space<vmem>>
    %dma_start3A_19 = arith.constant 40 : i32
    %dma_start3A_20 = tpu.memref_slice %arg5[%dma_start3A_19] : memref<10000xi32, #tpu.memory_space<vmem>> -> memref<40xi32, #tpu.memory_space<vmem>>
    %dma_start3A_21 = arith.constant 0 : i32
    %dma_start3A_22 = arith.constant 0 : i32
    %dma_start3A_23 = tpu.memref_slice %arg7[%dma_start3A_21, %dma_start3A_22] : memref<10000x128xf32, #tpu.memory_space<vmem_shared>> -> memref<10000x128xf32, #tpu.memory_space<vmem_shared>>
    tpu.enqueue_indirect_dma source(%dma_start3A_23 : memref<10000x128xf32, #tpu.memory_space<vmem_shared>>) target(%dma_start3A_18 : memref<40x128xf32, #tpu.memory_space<vmem>>) offsets(%dma_start3A_20 : memref<40xi32, #tpu.memory_space<vmem>>) semaphore(%arg9 : memref<!tpu.dma_semaphore, #tpu.memory_space<semaphore_mem>>)
    %dma_start3A_24 = arith.constant 2 : i32
    %dma_start3A_25 = arith.constant 0 : i32
    %dma_start3A_26 = arith.constant 0 : i32
    %dma_start3A_27 = tpu.memref_slice %arg6[%dma_start3A_24, %dma_start3A_25, %dma_start3A_26] : memref<5x40x128xf32, #tpu.memory_space<vmem>> -> memref<1x40x128xf32, #tpu.memory_space<vmem>>
    %dma_start3A_28 = tpu.memref_squeeze %dma_start3A_27 : memref<1x40x128xf32, #tpu.memory_space<vmem>> -> memref<40x128xf32, #tpu.memory_space<vmem>>
    %dma_start3A_29 = arith.constant 80 : i32
    %dma_start3A_30 = tpu.memref_slice %arg5[%dma_start3A_29] : memref<10000xi32, #tpu.memory_space<vmem>> -> memref<40xi32, #tpu.memory_space<vmem>>
    %dma_start3A_31 = arith.constant 0 : i32
    %dma_start3A_32 = arith.constant 0 : i32
    %dma_start3A_33 = tpu.memref_slice %arg7[%dma_start3A_31, %dma_start3A_32] : memref<10000x128xf32, #tpu.memory_space<vmem_shared>> -> memref<10000x128xf32, #tpu.memory_space<vmem_shared>>
    tpu.enqueue_indirect_dma source(%dma_start3A_33 : memref<10000x128xf32, #tpu.memory_space<vmem_shared>>) target(%dma_start3A_28 : memref<40x128xf32, #tpu.memory_space<vmem>>) offsets(%dma_start3A_30 : memref<40xi32, #tpu.memory_space<vmem>>) semaphore(%arg10 : memref<!tpu.dma_semaphore, #tpu.memory_space<semaphore_mem>>)
    %dma_start3A_34 = arith.constant 3 : i32
    %dma_start3A_35 = arith.constant 0 : i32
    %dma_start3A_36 = arith.constant 0 : i32
    %dma_start3A_37 = tpu.memref_slice %arg6[%dma_start3A_34, %dma_start3A_35, %dma_start3A_36] : memref<5x40x128xf32, #tpu.memory_space<vmem>> -> memref<1x40x128xf32, #tpu.memory_space<vmem>>
    %dma_start3A_38 = tpu.memref_squeeze %dma_start3A_37 : memref<1x40x128xf32, #tpu.memory_space<vmem>> -> memref<40x128xf32, #tpu.memory_space<vmem>>
    %dma_start3A_39 = arith.constant 120 : i32
    %dma_start3A_40 = tpu.memref_slice %arg5[%dma_start3A_39] : memref<10000xi32, #tpu.memory_space<vmem>> -> memref<40xi32, #tpu.memory_space<vmem>>
    %dma_start3A_41 = arith.constant 0 : i32
    %dma_start3A_42 = arith.constant 0 : i32
    %dma_start3A_43 = tpu.memref_slice %arg7[%dma_start3A_41, %dma_start3A_42] : memref<10000x128xf32, #tpu.memory_space<vmem_shared>> -> memref<10000x128xf32, #tpu.memory_space<vmem_shared>>
    tpu.enqueue_indirect_dma source(%dma_start3A_43 : memref<10000x128xf32, #tpu.memory_space<vmem_shared>>) target(%dma_start3A_38 : memref<40x128xf32, #tpu.memory_space<vmem>>) offsets(%dma_start3A_40 : memref<40xi32, #tpu.memory_space<vmem>>) semaphore(%arg11 : memref<!tpu.dma_semaphore, #tpu.memory_space<semaphore_mem>>)
    %scan3A = arith.constant 0 : i32
    %scan3A_44 = arith.constant 50 : i32
    %scan3A_45 = arith.addi %scan3A, %scan3A_44 : i32
    %scan3A_46 = arith.constant 1 : i32
    scf.for %scan3A_112 = %scan3A to %scan3A_45 step %scan3A_46  : i32 {
      %mul3A_113 = arith.constant 5 : i32
      %mul3A_114 = arith.muli %scan3A_112, %mul3A_113 : i32
      %add3A_115 = arith.constant 0 : i32
      %add3A_116 = arith.addi %add3A_115, %mul3A_114 : i32
      %add3A_117 = arith.constant 0 : i32
      %add3A_118 = arith.addi %add3A_116, %add3A_117 : i32
      %add3A_119 = arith.constant 4 : i32
      %add3A_120 = arith.addi %add3A_118, %add3A_119 : i32
      %lt3A_121 = arith.constant 250 : i32
      %lt3A_122 = arith.cmpi slt, %add3A_120, %lt3A_121 : i32
      %convert_element_type3A_123 = arith.extui %lt3A_122 : i1 to i32
      %cond3A_124 = arith.constant 0 : i32
      %cond3A_125 = arith.cmpi ne, %convert_element_type3A_123, %cond3A_124 : i32
      scf.if %cond3A_125 {
        %ge3A = arith.constant 1 : i32
        %ge3A_292 = arith.cmpi sge, %add3A_118, %ge3A : i32
        %convert_element_type3A_293 = arith.extui %ge3A_292 : i1 to i32
        %cond3A_294 = arith.constant 0 : i32
        %cond3A_295 = arith.cmpi ne, %convert_element_type3A_293, %cond3A_294 : i32
        scf.if %cond3A_295 {
          %dma_wait3A_309 = arith.constant 4 : i32
          %dma_wait3A_310 = arith.constant 0 : i32
          %dma_wait3A_311 = arith.constant 0 : i32
          %dma_wait3A_312 = tpu.memref_slice %arg6[%dma_wait3A_309, %dma_wait3A_310, %dma_wait3A_311] : memref<5x40x128xf32, #tpu.memory_space<vmem>> -> memref<1x40x128xf32, #tpu.memory_space<vmem>>
          %dma_wait3A_313 = tpu.memref_squeeze %dma_wait3A_312 : memref<1x40x128xf32, #tpu.memory_space<vmem>> -> memref<40x128xf32, #tpu.memory_space<vmem>>
          %dma_wait3A_314 = arith.constant 0 : i32
          %dma_wait3A_315 = tpu.memref_slice %arg4[%mul3A_2, %dma_wait3A_314] : memref<320000x128xf32, #tpu.memory_space<hbm>> -> memref<40x128xf32, #tpu.memory_space<hbm>>
          %dma_wait3A_316 = arith.constant 0 : i32
          %dma_wait3A_317 = tpu.memref_slice %arg4[%mul3A_2, %dma_wait3A_316] : memref<320000x128xf32, #tpu.memory_space<hbm>> -> memref<40x128xf32, #tpu.memory_space<hbm>>
          %dma_wait3A_318 = arith.constant 0 : i32
          %dma_wait3A_319 = arith.constant 0 : i32
          %dma_wait3A_320 = tpu.memref_slice %arg6[%dma_wait3A_309, %dma_wait3A_318, %dma_wait3A_319] : memref<5x40x128xf32, #tpu.memory_space<vmem>> -> memref<1x40x128xf32, #tpu.memory_space<vmem>>
          %dma_wait3A_321 = tpu.memref_squeeze %dma_wait3A_320 : memref<1x40x128xf32, #tpu.memory_space<vmem>> -> memref<40x128xf32, #tpu.memory_space<vmem>>
          tpu.wait_dma2 semaphore(%arg17 : memref<!tpu.dma_semaphore, #tpu.memory_space<semaphore_mem>>) src(%dma_wait3A_321 : memref<40x128xf32, #tpu.memory_space<vmem>>) dst(%dma_wait3A_317 : memref<40x128xf32, #tpu.memory_space<hbm>>)
        } else {
        }
        %add3A_296 = arith.constant 4 : i32
        %add3A_297 = arith.addi %add3A_118, %add3A_296 : i32
        %mul3A_298 = arith.constant 40 : i32
        %mul3A_299 = arith.muli %add3A_297, %mul3A_298 : i32
        %dma_start3A_300 = arith.constant 4 : i32
        %dma_start3A_301 = arith.constant 0 : i32
        %dma_start3A_302 = arith.constant 0 : i32
        %dma_start3A_303 = tpu.memref_slice %arg6[%dma_start3A_300, %dma_start3A_301, %dma_start3A_302] : memref<5x40x128xf32, #tpu.memory_space<vmem>> -> memref<1x40x128xf32, #tpu.memory_space<vmem>>
        %dma_start3A_304 = tpu.memref_squeeze %dma_start3A_303 : memref<1x40x128xf32, #tpu.memory_space<vmem>> -> memref<40x128xf32, #tpu.memory_space<vmem>>
        %dma_start3A_305 = tpu.memref_slice %arg5[%mul3A_299] : memref<10000xi32, #tpu.memory_space<vmem>> -> memref<40xi32, #tpu.memory_space<vmem>>
        %dma_start3A_306 = arith.constant 0 : i32
        %dma_start3A_307 = arith.constant 0 : i32
        %dma_start3A_308 = tpu.memref_slice %arg7[%dma_start3A_306, %dma_start3A_307] : memref<10000x128xf32, #tpu.memory_space<vmem_shared>> -> memref<10000x128xf32, #tpu.memory_space<vmem_shared>>
        tpu.enqueue_indirect_dma source(%dma_start3A_308 : memref<10000x128xf32, #tpu.memory_space<vmem_shared>>) target(%dma_start3A_304 : memref<40x128xf32, #tpu.memory_space<vmem>>) offsets(%dma_start3A_305 : memref<40xi32, #tpu.memory_space<vmem>>) semaphore(%arg12 : memref<!tpu.dma_semaphore, #tpu.memory_space<semaphore_mem>>)
      } else {
      }
      %dma_wait3A_126 = arith.constant 0 : i32
      %dma_wait3A_127 = arith.constant 0 : i32
      %dma_wait3A_128 = arith.constant 0 : i32
      %dma_wait3A_129 = tpu.memref_slice %arg6[%dma_wait3A_126, %dma_wait3A_127, %dma_wait3A_128] : memref<5x40x128xf32, #tpu.memory_space<vmem>> -> memref<1x40x128xf32, #tpu.memory_space<vmem>>
      %dma_wait3A_130 = tpu.memref_squeeze %dma_wait3A_129 : memref<1x40x128xf32, #tpu.memory_space<vmem>> -> memref<40x128xf32, #tpu.memory_space<vmem>>
      %dma_wait3A_131 = arith.constant 0 : i32
      %dma_wait3A_132 = tpu.memref_slice %arg5[%dma_wait3A_131] : memref<10000xi32, #tpu.memory_space<vmem>> -> memref<40xi32, #tpu.memory_space<vmem>>
      %dma_wait3A_133 = arith.constant 0 : i32
      %dma_wait3A_134 = arith.constant 0 : i32
      %dma_wait3A_135 = tpu.memref_slice %arg7[%dma_wait3A_133, %dma_wait3A_134] : memref<10000x128xf32, #tpu.memory_space<vmem_shared>> -> memref<10000x128xf32, #tpu.memory_space<vmem_shared>>
      tpu.wait_indirect_dma semaphore(%arg8 : memref<!tpu.dma_semaphore, #tpu.memory_space<semaphore_mem>>) src(%dma_wait3A_135 : memref<10000x128xf32, #tpu.memory_space<vmem_shared>>) dst(%dma_wait3A_130 : memref<40x128xf32, #tpu.memory_space<vmem>>)
      %mul3A_136 = arith.constant 40 : i32
      %mul3A_137 = arith.muli %add3A_118, %mul3A_136 : i32
      %add3A_138 = arith.addi %mul3A_2, %mul3A_137 : i32
      %dma_start3A_139 = arith.constant 0 : i32
      %dma_start3A_140 = arith.constant 0 : i32
      %dma_start3A_141 = arith.constant 0 : i32
      %dma_start3A_142 = tpu.memref_slice %arg6[%dma_start3A_139, %dma_start3A_140, %dma_start3A_141] : memref<5x40x128xf32, #tpu.memory_space<vmem>> -> memref<1x40x128xf32, #tpu.memory_space<vmem>>
      %dma_start3A_143 = tpu.memref_squeeze %dma_start3A_142 : memref<1x40x128xf32, #tpu.memory_space<vmem>> -> memref<40x128xf32, #tpu.memory_space<vmem>>
      %dma_start3A_144 = arith.constant 0 : i32
      %dma_start3A_145 = tpu.memref_slice %arg4[%add3A_138, %dma_start3A_144] : memref<320000x128xf32, #tpu.memory_space<hbm>> -> memref<40x128xf32, #tpu.memory_space<hbm>>
      %dma_start3A_146 = arith.constant 0 : i32
      %dma_start3A_147 = tpu.memref_slice %arg4[%add3A_138, %dma_start3A_146] : memref<320000x128xf32, #tpu.memory_space<hbm>> -> memref<40x128xf32, #tpu.memory_space<hbm>>
      %dma_start3A_148 = arith.constant 0 : i32
      %dma_start3A_149 = arith.constant 0 : i32
      %dma_start3A_150 = tpu.memref_slice %arg6[%dma_start3A_139, %dma_start3A_148, %dma_start3A_149] : memref<5x40x128xf32, #tpu.memory_space<vmem>> -> memref<1x40x128xf32, #tpu.memory_space<vmem>>
      %dma_start3A_151 = tpu.memref_squeeze %dma_start3A_150 : memref<1x40x128xf32, #tpu.memory_space<vmem>> -> memref<40x128xf32, #tpu.memory_space<vmem>>
      tpu.enqueue_dma source(%dma_start3A_151 : memref<40x128xf32, #tpu.memory_space<vmem>>) target(%dma_start3A_147 : memref<40x128xf32, #tpu.memory_space<hbm>>) target_semaphore(%arg13 : memref<!tpu.dma_semaphore, #tpu.memory_space<semaphore_mem>>)
      %add3A_152 = arith.constant 1 : i32
      %add3A_153 = arith.addi %add3A_116, %add3A_152 : i32
      %add3A_154 = arith.constant 4 : i32
      %add3A_155 = arith.addi %add3A_153, %add3A_154 : i32
      %lt3A_156 = arith.constant 250 : i32
      %lt3A_157 = arith.cmpi slt, %add3A_155, %lt3A_156 : i32
      %convert_element_type3A_158 = arith.extui %lt3A_157 : i1 to i32
      %cond3A_159 = arith.constant 0 : i32
      %cond3A_160 = arith.cmpi ne, %convert_element_type3A_158, %cond3A_159 : i32
      scf.if %cond3A_160 {
        %ge3A = arith.constant 1 : i32
        %ge3A_292 = arith.cmpi sge, %add3A_153, %ge3A : i32
        %convert_element_type3A_293 = arith.extui %ge3A_292 : i1 to i32
        %cond3A_294 = arith.constant 0 : i32
        %cond3A_295 = arith.cmpi ne, %convert_element_type3A_293, %cond3A_294 : i32
        scf.if %cond3A_295 {
          %dma_wait3A_309 = arith.constant 0 : i32
          %dma_wait3A_310 = arith.constant 0 : i32
          %dma_wait3A_311 = arith.constant 0 : i32
          %dma_wait3A_312 = tpu.memref_slice %arg6[%dma_wait3A_309, %dma_wait3A_310, %dma_wait3A_311] : memref<5x40x128xf32, #tpu.memory_space<vmem>> -> memref<1x40x128xf32, #tpu.memory_space<vmem>>
          %dma_wait3A_313 = tpu.memref_squeeze %dma_wait3A_312 : memref<1x40x128xf32, #tpu.memory_space<vmem>> -> memref<40x128xf32, #tpu.memory_space<vmem>>
          %dma_wait3A_314 = arith.constant 0 : i32
          %dma_wait3A_315 = tpu.memref_slice %arg4[%mul3A_2, %dma_wait3A_314] : memref<320000x128xf32, #tpu.memory_space<hbm>> -> memref<40x128xf32, #tpu.memory_space<hbm>>
          %dma_wait3A_316 = arith.constant 0 : i32
          %dma_wait3A_317 = tpu.memref_slice %arg4[%mul3A_2, %dma_wait3A_316] : memref<320000x128xf32, #tpu.memory_space<hbm>> -> memref<40x128xf32, #tpu.memory_space<hbm>>
          %dma_wait3A_318 = arith.constant 0 : i32
          %dma_wait3A_319 = arith.constant 0 : i32
          %dma_wait3A_320 = tpu.memref_slice %arg6[%dma_wait3A_309, %dma_wait3A_318, %dma_wait3A_319] : memref<5x40x128xf32, #tpu.memory_space<vmem>> -> memref<1x40x128xf32, #tpu.memory_space<vmem>>
          %dma_wait3A_321 = tpu.memref_squeeze %dma_wait3A_320 : memref<1x40x128xf32, #tpu.memory_space<vmem>> -> memref<40x128xf32, #tpu.memory_space<vmem>>
          tpu.wait_dma2 semaphore(%arg13 : memref<!tpu.dma_semaphore, #tpu.memory_space<semaphore_mem>>) src(%dma_wait3A_321 : memref<40x128xf32, #tpu.memory_space<vmem>>) dst(%dma_wait3A_317 : memref<40x128xf32, #tpu.memory_space<hbm>>)
        } else {
        }
        %add3A_296 = arith.constant 4 : i32
        %add3A_297 = arith.addi %add3A_153, %add3A_296 : i32
        %mul3A_298 = arith.constant 40 : i32
        %mul3A_299 = arith.muli %add3A_297, %mul3A_298 : i32
        %dma_start3A_300 = arith.constant 0 : i32
        %dma_start3A_301 = arith.constant 0 : i32
        %dma_start3A_302 = arith.constant 0 : i32
        %dma_start3A_303 = tpu.memref_slice %arg6[%dma_start3A_300, %dma_start3A_301, %dma_start3A_302] : memref<5x40x128xf32, #tpu.memory_space<vmem>> -> memref<1x40x128xf32, #tpu.memory_space<vmem>>
        %dma_start3A_304 = tpu.memref_squeeze %dma_start3A_303 : memref<1x40x128xf32, #tpu.memory_space<vmem>> -> memref<40x128xf32, #tpu.memory_space<vmem>>
        %dma_start3A_305 = tpu.memref_slice %arg5[%mul3A_299] : memref<10000xi32, #tpu.memory_space<vmem>> -> memref<40xi32, #tpu.memory_space<vmem>>
        %dma_start3A_306 = arith.constant 0 : i32
        %dma_start3A_307 = arith.constant 0 : i32
        %dma_start3A_308 = tpu.memref_slice %arg7[%dma_start3A_306, %dma_start3A_307] : memref<10000x128xf32, #tpu.memory_space<vmem_shared>> -> memref<10000x128xf32, #tpu.memory_space<vmem_shared>>
        tpu.enqueue_indirect_dma source(%dma_start3A_308 : memref<10000x128xf32, #tpu.memory_space<vmem_shared>>) target(%dma_start3A_304 : memref<40x128xf32, #tpu.memory_space<vmem>>) offsets(%dma_start3A_305 : memref<40xi32, #tpu.memory_space<vmem>>) semaphore(%arg8 : memref<!tpu.dma_semaphore, #tpu.memory_space<semaphore_mem>>)
      } else {
      }
      %dma_wait3A_161 = arith.constant 1 : i32
      %dma_wait3A_162 = arith.constant 0 : i32
      %dma_wait3A_163 = arith.constant 0 : i32
      %dma_wait3A_164 = tpu.memref_slice %arg6[%dma_wait3A_161, %dma_wait3A_162, %dma_wait3A_163] : memref<5x40x128xf32, #tpu.memory_space<vmem>> -> memref<1x40x128xf32, #tpu.memory_space<vmem>>
      %dma_wait3A_165 = tpu.memref_squeeze %dma_wait3A_164 : memref<1x40x128xf32, #tpu.memory_space<vmem>> -> memref<40x128xf32, #tpu.memory_space<vmem>>
      %dma_wait3A_166 = arith.constant 0 : i32
      %dma_wait3A_167 = tpu.memref_slice %arg5[%dma_wait3A_166] : memref<10000xi32, #tpu.memory_space<vmem>> -> memref<40xi32, #tpu.memory_space<vmem>>
      %dma_wait3A_168 = arith.constant 0 : i32
      %dma_wait3A_169 = arith.constant 0 : i32
      %dma_wait3A_170 = tpu.memref_slice %arg7[%dma_wait3A_168, %dma_wait3A_169] : memref<10000x128xf32, #tpu.memory_space<vmem_shared>> -> memref<10000x128xf32, #tpu.memory_space<vmem_shared>>
      tpu.wait_indirect_dma semaphore(%arg9 : memref<!tpu.dma_semaphore, #tpu.memory_space<semaphore_mem>>) src(%dma_wait3A_170 : memref<10000x128xf32, #tpu.memory_space<vmem_shared>>) dst(%dma_wait3A_165 : memref<40x128xf32, #tpu.memory_space<vmem>>)
      %mul3A_171 = arith.constant 40 : i32
      %mul3A_172 = arith.muli %add3A_153, %mul3A_171 : i32
      %add3A_173 = arith.addi %mul3A_2, %mul3A_172 : i32
      %dma_start3A_174 = arith.constant 1 : i32
      %dma_start3A_175 = arith.constant 0 : i32
      %dma_start3A_176 = arith.constant 0 : i32
      %dma_start3A_177 = tpu.memref_slice %arg6[%dma_start3A_174, %dma_start3A_175, %dma_start3A_176] : memref<5x40x128xf32, #tpu.memory_space<vmem>> -> memref<1x40x128xf32, #tpu.memory_space<vmem>>
      %dma_start3A_178 = tpu.memref_squeeze %dma_start3A_177 : memref<1x40x128xf32, #tpu.memory_space<vmem>> -> memref<40x128xf32, #tpu.memory_space<vmem>>
      %dma_start3A_179 = arith.constant 0 : i32
      %dma_start3A_180 = tpu.memref_slice %arg4[%add3A_173, %dma_start3A_179] : memref<320000x128xf32, #tpu.memory_space<hbm>> -> memref<40x128xf32, #tpu.memory_space<hbm>>
      %dma_start3A_181 = arith.constant 0 : i32
      %dma_start3A_182 = tpu.memref_slice %arg4[%add3A_173, %dma_start3A_181] : memref<320000x128xf32, #tpu.memory_space<hbm>> -> memref<40x128xf32, #tpu.memory_space<hbm>>
      %dma_start3A_183 = arith.constant 0 : i32
      %dma_start3A_184 = arith.constant 0 : i32
      %dma_start3A_185 = tpu.memref_slice %arg6[%dma_start3A_174, %dma_start3A_183, %dma_start3A_184] : memref<5x40x128xf32, #tpu.memory_space<vmem>> -> memref<1x40x128xf32, #tpu.memory_space<vmem>>
      %dma_start3A_186 = tpu.memref_squeeze %dma_start3A_185 : memref<1x40x128xf32, #tpu.memory_space<vmem>> -> memref<40x128xf32, #tpu.memory_space<vmem>>
      tpu.enqueue_dma source(%dma_start3A_186 : memref<40x128xf32, #tpu.memory_space<vmem>>) target(%dma_start3A_182 : memref<40x128xf32, #tpu.memory_space<hbm>>) target_semaphore(%arg14 : memref<!tpu.dma_semaphore, #tpu.memory_space<semaphore_mem>>)
      %add3A_187 = arith.constant 2 : i32
      %add3A_188 = arith.addi %add3A_116, %add3A_187 : i32
      %add3A_189 = arith.constant 4 : i32
      %add3A_190 = arith.addi %add3A_188, %add3A_189 : i32
      %lt3A_191 = arith.constant 250 : i32
      %lt3A_192 = arith.cmpi slt, %add3A_190, %lt3A_191 : i32
      %convert_element_type3A_193 = arith.extui %lt3A_192 : i1 to i32
      %cond3A_194 = arith.constant 0 : i32
      %cond3A_195 = arith.cmpi ne, %convert_element_type3A_193, %cond3A_194 : i32
      scf.if %cond3A_195 {
        %ge3A = arith.constant 1 : i32
        %ge3A_292 = arith.cmpi sge, %add3A_188, %ge3A : i32
        %convert_element_type3A_293 = arith.extui %ge3A_292 : i1 to i32
        %cond3A_294 = arith.constant 0 : i32
        %cond3A_295 = arith.cmpi ne, %convert_element_type3A_293, %cond3A_294 : i32
        scf.if %cond3A_295 {
          %dma_wait3A_309 = arith.constant 1 : i32
          %dma_wait3A_310 = arith.constant 0 : i32
          %dma_wait3A_311 = arith.constant 0 : i32
          %dma_wait3A_312 = tpu.memref_slice %arg6[%dma_wait3A_309, %dma_wait3A_310, %dma_wait3A_311] : memref<5x40x128xf32, #tpu.memory_space<vmem>> -> memref<1x40x128xf32, #tpu.memory_space<vmem>>
          %dma_wait3A_313 = tpu.memref_squeeze %dma_wait3A_312 : memref<1x40x128xf32, #tpu.memory_space<vmem>> -> memref<40x128xf32, #tpu.memory_space<vmem>>
          %dma_wait3A_314 = arith.constant 0 : i32
          %dma_wait3A_315 = tpu.memref_slice %arg4[%mul3A_2, %dma_wait3A_314] : memref<320000x128xf32, #tpu.memory_space<hbm>> -> memref<40x128xf32, #tpu.memory_space<hbm>>
          %dma_wait3A_316 = arith.constant 0 : i32
          %dma_wait3A_317 = tpu.memref_slice %arg4[%mul3A_2, %dma_wait3A_316] : memref<320000x128xf32, #tpu.memory_space<hbm>> -> memref<40x128xf32, #tpu.memory_space<hbm>>
          %dma_wait3A_318 = arith.constant 0 : i32
          %dma_wait3A_319 = arith.constant 0 : i32
          %dma_wait3A_320 = tpu.memref_slice %arg6[%dma_wait3A_309, %dma_wait3A_318, %dma_wait3A_319] : memref<5x40x128xf32, #tpu.memory_space<vmem>> -> memref<1x40x128xf32, #tpu.memory_space<vmem>>
          %dma_wait3A_321 = tpu.memref_squeeze %dma_wait3A_320 : memref<1x40x128xf32, #tpu.memory_space<vmem>> -> memref<40x128xf32, #tpu.memory_space<vmem>>
          tpu.wait_dma2 semaphore(%arg14 : memref<!tpu.dma_semaphore, #tpu.memory_space<semaphore_mem>>) src(%dma_wait3A_321 : memref<40x128xf32, #tpu.memory_space<vmem>>) dst(%dma_wait3A_317 : memref<40x128xf32, #tpu.memory_space<hbm>>)
        } else {
        }
        %add3A_296 = arith.constant 4 : i32
        %add3A_297 = arith.addi %add3A_188, %add3A_296 : i32
        %mul3A_298 = arith.constant 40 : i32
        %mul3A_299 = arith.muli %add3A_297, %mul3A_298 : i32
        %dma_start3A_300 = arith.constant 1 : i32
        %dma_start3A_301 = arith.constant 0 : i32
        %dma_start3A_302 = arith.constant 0 : i32
        %dma_start3A_303 = tpu.memref_slice %arg6[%dma_start3A_300, %dma_start3A_301, %dma_start3A_302] : memref<5x40x128xf32, #tpu.memory_space<vmem>> -> memref<1x40x128xf32, #tpu.memory_space<vmem>>
        %dma_start3A_304 = tpu.memref_squeeze %dma_start3A_303 : memref<1x40x128xf32, #tpu.memory_space<vmem>> -> memref<40x128xf32, #tpu.memory_space<vmem>>
        %dma_start3A_305 = tpu.memref_slice %arg5[%mul3A_299] : memref<10000xi32, #tpu.memory_space<vmem>> -> memref<40xi32, #tpu.memory_space<vmem>>
        %dma_start3A_306 = arith.constant 0 : i32
        %dma_start3A_307 = arith.constant 0 : i32
        %dma_start3A_308 = tpu.memref_slice %arg7[%dma_start3A_306, %dma_start3A_307] : memref<10000x128xf32, #tpu.memory_space<vmem_shared>> -> memref<10000x128xf32, #tpu.memory_space<vmem_shared>>
        tpu.enqueue_indirect_dma source(%dma_start3A_308 : memref<10000x128xf32, #tpu.memory_space<vmem_shared>>) target(%dma_start3A_304 : memref<40x128xf32, #tpu.memory_space<vmem>>) offsets(%dma_start3A_305 : memref<40xi32, #tpu.memory_space<vmem>>) semaphore(%arg9 : memref<!tpu.dma_semaphore, #tpu.memory_space<semaphore_mem>>)
      } else {
      }
      %dma_wait3A_196 = arith.constant 2 : i32
      %dma_wait3A_197 = arith.constant 0 : i32
      %dma_wait3A_198 = arith.constant 0 : i32
      %dma_wait3A_199 = tpu.memref_slice %arg6[%dma_wait3A_196, %dma_wait3A_197, %dma_wait3A_198] : memref<5x40x128xf32, #tpu.memory_space<vmem>> -> memref<1x40x128xf32, #tpu.memory_space<vmem>>
      %dma_wait3A_200 = tpu.memref_squeeze %dma_wait3A_199 : memref<1x40x128xf32, #tpu.memory_space<vmem>> -> memref<40x128xf32, #tpu.memory_space<vmem>>
      %dma_wait3A_201 = arith.constant 0 : i32
      %dma_wait3A_202 = tpu.memref_slice %arg5[%dma_wait3A_201] : memref<10000xi32, #tpu.memory_space<vmem>> -> memref<40xi32, #tpu.memory_space<vmem>>
      %dma_wait3A_203 = arith.constant 0 : i32
      %dma_wait3A_204 = arith.constant 0 : i32
      %dma_wait3A_205 = tpu.memref_slice %arg7[%dma_wait3A_203, %dma_wait3A_204] : memref<10000x128xf32, #tpu.memory_space<vmem_shared>> -> memref<10000x128xf32, #tpu.memory_space<vmem_shared>>
      tpu.wait_indirect_dma semaphore(%arg10 : memref<!tpu.dma_semaphore, #tpu.memory_space<semaphore_mem>>) src(%dma_wait3A_205 : memref<10000x128xf32, #tpu.memory_space<vmem_shared>>) dst(%dma_wait3A_200 : memref<40x128xf32, #tpu.memory_space<vmem>>)
      %mul3A_206 = arith.constant 40 : i32
      %mul3A_207 = arith.muli %add3A_188, %mul3A_206 : i32
      %add3A_208 = arith.addi %mul3A_2, %mul3A_207 : i32
      %dma_start3A_209 = arith.constant 2 : i32
      %dma_start3A_210 = arith.constant 0 : i32
      %dma_start3A_211 = arith.constant 0 : i32
      %dma_start3A_212 = tpu.memref_slice %arg6[%dma_start3A_209, %dma_start3A_210, %dma_start3A_211] : memref<5x40x128xf32, #tpu.memory_space<vmem>> -> memref<1x40x128xf32, #tpu.memory_space<vmem>>
      %dma_start3A_213 = tpu.memref_squeeze %dma_start3A_212 : memref<1x40x128xf32, #tpu.memory_space<vmem>> -> memref<40x128xf32, #tpu.memory_space<vmem>>
      %dma_start3A_214 = arith.constant 0 : i32
      %dma_start3A_215 = tpu.memref_slice %arg4[%add3A_208, %dma_start3A_214] : memref<320000x128xf32, #tpu.memory_space<hbm>> -> memref<40x128xf32, #tpu.memory_space<hbm>>
      %dma_start3A_216 = arith.constant 0 : i32
      %dma_start3A_217 = tpu.memref_slice %arg4[%add3A_208, %dma_start3A_216] : memref<320000x128xf32, #tpu.memory_space<hbm>> -> memref<40x128xf32, #tpu.memory_space<hbm>>
      %dma_start3A_218 = arith.constant 0 : i32
      %dma_start3A_219 = arith.constant 0 : i32
      %dma_start3A_220 = tpu.memref_slice %arg6[%dma_start3A_209, %dma_start3A_218, %dma_start3A_219] : memref<5x40x128xf32, #tpu.memory_space<vmem>> -> memref<1x40x128xf32, #tpu.memory_space<vmem>>
      %dma_start3A_221 = tpu.memref_squeeze %dma_start3A_220 : memref<1x40x128xf32, #tpu.memory_space<vmem>> -> memref<40x128xf32, #tpu.memory_space<vmem>>
      tpu.enqueue_dma source(%dma_start3A_221 : memref<40x128xf32, #tpu.memory_space<vmem>>) target(%dma_start3A_217 : memref<40x128xf32, #tpu.memory_space<hbm>>) target_semaphore(%arg15 : memref<!tpu.dma_semaphore, #tpu.memory_space<semaphore_mem>>)
      %add3A_222 = arith.constant 3 : i32
      %add3A_223 = arith.addi %add3A_116, %add3A_222 : i32
      %add3A_224 = arith.constant 4 : i32
      %add3A_225 = arith.addi %add3A_223, %add3A_224 : i32
      %lt3A_226 = arith.constant 250 : i32
      %lt3A_227 = arith.cmpi slt, %add3A_225, %lt3A_226 : i32
      %convert_element_type3A_228 = arith.extui %lt3A_227 : i1 to i32
      %cond3A_229 = arith.constant 0 : i32
      %cond3A_230 = arith.cmpi ne, %convert_element_type3A_228, %cond3A_229 : i32
      scf.if %cond3A_230 {
        %ge3A = arith.constant 1 : i32
        %ge3A_292 = arith.cmpi sge, %add3A_223, %ge3A : i32
        %convert_element_type3A_293 = arith.extui %ge3A_292 : i1 to i32
        %cond3A_294 = arith.constant 0 : i32
        %cond3A_295 = arith.cmpi ne, %convert_element_type3A_293, %cond3A_294 : i32
        scf.if %cond3A_295 {
          %dma_wait3A_309 = arith.constant 2 : i32
          %dma_wait3A_310 = arith.constant 0 : i32
          %dma_wait3A_311 = arith.constant 0 : i32
          %dma_wait3A_312 = tpu.memref_slice %arg6[%dma_wait3A_309, %dma_wait3A_310, %dma_wait3A_311] : memref<5x40x128xf32, #tpu.memory_space<vmem>> -> memref<1x40x128xf32, #tpu.memory_space<vmem>>
          %dma_wait3A_313 = tpu.memref_squeeze %dma_wait3A_312 : memref<1x40x128xf32, #tpu.memory_space<vmem>> -> memref<40x128xf32, #tpu.memory_space<vmem>>
          %dma_wait3A_314 = arith.constant 0 : i32
          %dma_wait3A_315 = tpu.memref_slice %arg4[%mul3A_2, %dma_wait3A_314] : memref<320000x128xf32, #tpu.memory_space<hbm>> -> memref<40x128xf32, #tpu.memory_space<hbm>>
          %dma_wait3A_316 = arith.constant 0 : i32
          %dma_wait3A_317 = tpu.memref_slice %arg4[%mul3A_2, %dma_wait3A_316] : memref<320000x128xf32, #tpu.memory_space<hbm>> -> memref<40x128xf32, #tpu.memory_space<hbm>>
          %dma_wait3A_318 = arith.constant 0 : i32
          %dma_wait3A_319 = arith.constant 0 : i32
          %dma_wait3A_320 = tpu.memref_slice %arg6[%dma_wait3A_309, %dma_wait3A_318, %dma_wait3A_319] : memref<5x40x128xf32, #tpu.memory_space<vmem>> -> memref<1x40x128xf32, #tpu.memory_space<vmem>>
          %dma_wait3A_321 = tpu.memref_squeeze %dma_wait3A_320 : memref<1x40x128xf32, #tpu.memory_space<vmem>> -> memref<40x128xf32, #tpu.memory_space<vmem>>
          tpu.wait_dma2 semaphore(%arg15 : memref<!tpu.dma_semaphore, #tpu.memory_space<semaphore_mem>>) src(%dma_wait3A_321 : memref<40x128xf32, #tpu.memory_space<vmem>>) dst(%dma_wait3A_317 : memref<40x128xf32, #tpu.memory_space<hbm>>)
        } else {
        }
        %add3A_296 = arith.constant 4 : i32
        %add3A_297 = arith.addi %add3A_223, %add3A_296 : i32
        %mul3A_298 = arith.constant 40 : i32
        %mul3A_299 = arith.muli %add3A_297, %mul3A_298 : i32
        %dma_start3A_300 = arith.constant 2 : i32
        %dma_start3A_301 = arith.constant 0 : i32
        %dma_start3A_302 = arith.constant 0 : i32
        %dma_start3A_303 = tpu.memref_slice %arg6[%dma_start3A_300, %dma_start3A_301, %dma_start3A_302] : memref<5x40x128xf32, #tpu.memory_space<vmem>> -> memref<1x40x128xf32, #tpu.memory_space<vmem>>
        %dma_start3A_304 = tpu.memref_squeeze %dma_start3A_303 : memref<1x40x128xf32, #tpu.memory_space<vmem>> -> memref<40x128xf32, #tpu.memory_space<vmem>>
        %dma_start3A_305 = tpu.memref_slice %arg5[%mul3A_299] : memref<10000xi32, #tpu.memory_space<vmem>> -> memref<40xi32, #tpu.memory_space<vmem>>
        %dma_start3A_306 = arith.constant 0 : i32
        %dma_start3A_307 = arith.constant 0 : i32
        %dma_start3A_308 = tpu.memref_slice %arg7[%dma_start3A_306, %dma_start3A_307] : memref<10000x128xf32, #tpu.memory_space<vmem_shared>> -> memref<10000x128xf32, #tpu.memory_space<vmem_shared>>
        tpu.enqueue_indirect_dma source(%dma_start3A_308 : memref<10000x128xf32, #tpu.memory_space<vmem_shared>>) target(%dma_start3A_304 : memref<40x128xf32, #tpu.memory_space<vmem>>) offsets(%dma_start3A_305 : memref<40xi32, #tpu.memory_space<vmem>>) semaphore(%arg10 : memref<!tpu.dma_semaphore, #tpu.memory_space<semaphore_mem>>)
      } else {
      }
      %dma_wait3A_231 = arith.constant 3 : i32
      %dma_wait3A_232 = arith.constant 0 : i32
      %dma_wait3A_233 = arith.constant 0 : i32
      %dma_wait3A_234 = tpu.memref_slice %arg6[%dma_wait3A_231, %dma_wait3A_232, %dma_wait3A_233] : memref<5x40x128xf32, #tpu.memory_space<vmem>> -> memref<1x40x128xf32, #tpu.memory_space<vmem>>
      %dma_wait3A_235 = tpu.memref_squeeze %dma_wait3A_234 : memref<1x40x128xf32, #tpu.memory_space<vmem>> -> memref<40x128xf32, #tpu.memory_space<vmem>>
      %dma_wait3A_236 = arith.constant 0 : i32
      %dma_wait3A_237 = tpu.memref_slice %arg5[%dma_wait3A_236] : memref<10000xi32, #tpu.memory_space<vmem>> -> memref<40xi32, #tpu.memory_space<vmem>>
      %dma_wait3A_238 = arith.constant 0 : i32
      %dma_wait3A_239 = arith.constant 0 : i32
      %dma_wait3A_240 = tpu.memref_slice %arg7[%dma_wait3A_238, %dma_wait3A_239] : memref<10000x128xf32, #tpu.memory_space<vmem_shared>> -> memref<10000x128xf32, #tpu.memory_space<vmem_shared>>
      tpu.wait_indirect_dma semaphore(%arg11 : memref<!tpu.dma_semaphore, #tpu.memory_space<semaphore_mem>>) src(%dma_wait3A_240 : memref<10000x128xf32, #tpu.memory_space<vmem_shared>>) dst(%dma_wait3A_235 : memref<40x128xf32, #tpu.memory_space<vmem>>)
      %mul3A_241 = arith.constant 40 : i32
      %mul3A_242 = arith.muli %add3A_223, %mul3A_241 : i32
      %add3A_243 = arith.addi %mul3A_2, %mul3A_242 : i32
      %dma_start3A_244 = arith.constant 3 : i32
      %dma_start3A_245 = arith.constant 0 : i32
      %dma_start3A_246 = arith.constant 0 : i32
      %dma_start3A_247 = tpu.memref_slice %arg6[%dma_start3A_244, %dma_start3A_245, %dma_start3A_246] : memref<5x40x128xf32, #tpu.memory_space<vmem>> -> memref<1x40x128xf32, #tpu.memory_space<vmem>>
      %dma_start3A_248 = tpu.memref_squeeze %dma_start3A_247 : memref<1x40x128xf32, #tpu.memory_space<vmem>> -> memref<40x128xf32, #tpu.memory_space<vmem>>
      %dma_start3A_249 = arith.constant 0 : i32
      %dma_start3A_250 = tpu.memref_slice %arg4[%add3A_243, %dma_start3A_249] : memref<320000x128xf32, #tpu.memory_space<hbm>> -> memref<40x128xf32, #tpu.memory_space<hbm>>
      %dma_start3A_251 = arith.constant 0 : i32
      %dma_start3A_252 = tpu.memref_slice %arg4[%add3A_243, %dma_start3A_251] : memref<320000x128xf32, #tpu.memory_space<hbm>> -> memref<40x128xf32, #tpu.memory_space<hbm>>
      %dma_start3A_253 = arith.constant 0 : i32
      %dma_start3A_254 = arith.constant 0 : i32
      %dma_start3A_255 = tpu.memref_slice %arg6[%dma_start3A_244, %dma_start3A_253, %dma_start3A_254] : memref<5x40x128xf32, #tpu.memory_space<vmem>> -> memref<1x40x128xf32, #tpu.memory_space<vmem>>
      %dma_start3A_256 = tpu.memref_squeeze %dma_start3A_255 : memref<1x40x128xf32, #tpu.memory_space<vmem>> -> memref<40x128xf32, #tpu.memory_space<vmem>>
      tpu.enqueue_dma source(%dma_start3A_256 : memref<40x128xf32, #tpu.memory_space<vmem>>) target(%dma_start3A_252 : memref<40x128xf32, #tpu.memory_space<hbm>>) target_semaphore(%arg16 : memref<!tpu.dma_semaphore, #tpu.memory_space<semaphore_mem>>)
      %add3A_257 = arith.constant 4 : i32
      %add3A_258 = arith.addi %add3A_116, %add3A_257 : i32
      %add3A_259 = arith.constant 4 : i32
      %add3A_260 = arith.addi %add3A_258, %add3A_259 : i32
      %lt3A_261 = arith.constant 250 : i32
      %lt3A_262 = arith.cmpi slt, %add3A_260, %lt3A_261 : i32
      %convert_element_type3A_263 = arith.extui %lt3A_262 : i1 to i32
      %cond3A_264 = arith.constant 0 : i32
      %cond3A_265 = arith.cmpi ne, %convert_element_type3A_263, %cond3A_264 : i32
      scf.if %cond3A_265 {
        %ge3A = arith.constant 1 : i32
        %ge3A_292 = arith.cmpi sge, %add3A_258, %ge3A : i32
        %convert_element_type3A_293 = arith.extui %ge3A_292 : i1 to i32
        %cond3A_294 = arith.constant 0 : i32
        %cond3A_295 = arith.cmpi ne, %convert_element_type3A_293, %cond3A_294 : i32
        scf.if %cond3A_295 {
          %dma_wait3A_309 = arith.constant 3 : i32
          %dma_wait3A_310 = arith.constant 0 : i32
          %dma_wait3A_311 = arith.constant 0 : i32
          %dma_wait3A_312 = tpu.memref_slice %arg6[%dma_wait3A_309, %dma_wait3A_310, %dma_wait3A_311] : memref<5x40x128xf32, #tpu.memory_space<vmem>> -> memref<1x40x128xf32, #tpu.memory_space<vmem>>
          %dma_wait3A_313 = tpu.memref_squeeze %dma_wait3A_312 : memref<1x40x128xf32, #tpu.memory_space<vmem>> -> memref<40x128xf32, #tpu.memory_space<vmem>>
          %dma_wait3A_314 = arith.constant 0 : i32
          %dma_wait3A_315 = tpu.memref_slice %arg4[%mul3A_2, %dma_wait3A_314] : memref<320000x128xf32, #tpu.memory_space<hbm>> -> memref<40x128xf32, #tpu.memory_space<hbm>>
          %dma_wait3A_316 = arith.constant 0 : i32
          %dma_wait3A_317 = tpu.memref_slice %arg4[%mul3A_2, %dma_wait3A_316] : memref<320000x128xf32, #tpu.memory_space<hbm>> -> memref<40x128xf32, #tpu.memory_space<hbm>>
          %dma_wait3A_318 = arith.constant 0 : i32
          %dma_wait3A_319 = arith.constant 0 : i32
          %dma_wait3A_320 = tpu.memref_slice %arg6[%dma_wait3A_309, %dma_wait3A_318, %dma_wait3A_319] : memref<5x40x128xf32, #tpu.memory_space<vmem>> -> memref<1x40x128xf32, #tpu.memory_space<vmem>>
          %dma_wait3A_321 = tpu.memref_squeeze %dma_wait3A_320 : memref<1x40x128xf32, #tpu.memory_space<vmem>> -> memref<40x128xf32, #tpu.memory_space<vmem>>
          tpu.wait_dma2 semaphore(%arg16 : memref<!tpu.dma_semaphore, #tpu.memory_space<semaphore_mem>>) src(%dma_wait3A_321 : memref<40x128xf32, #tpu.memory_space<vmem>>) dst(%dma_wait3A_317 : memref<40x128xf32, #tpu.memory_space<hbm>>)
        } else {
        }
        %add3A_296 = arith.constant 4 : i32
        %add3A_297 = arith.addi %add3A_258, %add3A_296 : i32
        %mul3A_298 = arith.constant 40 : i32
        %mul3A_299 = arith.muli %add3A_297, %mul3A_298 : i32
        %dma_start3A_300 = arith.constant 3 : i32
        %dma_start3A_301 = arith.constant 0 : i32
        %dma_start3A_302 = arith.constant 0 : i32
        %dma_start3A_303 = tpu.memref_slice %arg6[%dma_start3A_300, %dma_start3A_301, %dma_start3A_302] : memref<5x40x128xf32, #tpu.memory_space<vmem>> -> memref<1x40x128xf32, #tpu.memory_space<vmem>>
        %dma_start3A_304 = tpu.memref_squeeze %dma_start3A_303 : memref<1x40x128xf32, #tpu.memory_space<vmem>> -> memref<40x128xf32, #tpu.memory_space<vmem>>
        %dma_start3A_305 = tpu.memref_slice %arg5[%mul3A_299] : memref<10000xi32, #tpu.memory_space<vmem>> -> memref<40xi32, #tpu.memory_space<vmem>>
        %dma_start3A_306 = arith.constant 0 : i32
        %dma_start3A_307 = arith.constant 0 : i32
        %dma_start3A_308 = tpu.memref_slice %arg7[%dma_start3A_306, %dma_start3A_307] : memref<10000x128xf32, #tpu.memory_space<vmem_shared>> -> memref<10000x128xf32, #tpu.memory_space<vmem_shared>>
        tpu.enqueue_indirect_dma source(%dma_start3A_308 : memref<10000x128xf32, #tpu.memory_space<vmem_shared>>) target(%dma_start3A_304 : memref<40x128xf32, #tpu.memory_space<vmem>>) offsets(%dma_start3A_305 : memref<40xi32, #tpu.memory_space<vmem>>) semaphore(%arg11 : memref<!tpu.dma_semaphore, #tpu.memory_space<semaphore_mem>>)
      } else {
      }
      %dma_wait3A_266 = arith.constant 4 : i32
      %dma_wait3A_267 = arith.constant 0 : i32
      %dma_wait3A_268 = arith.constant 0 : i32
      %dma_wait3A_269 = tpu.memref_slice %arg6[%dma_wait3A_266, %dma_wait3A_267, %dma_wait3A_268] : memref<5x40x128xf32, #tpu.memory_space<vmem>> -> memref<1x40x128xf32, #tpu.memory_space<vmem>>
      %dma_wait3A_270 = tpu.memref_squeeze %dma_wait3A_269 : memref<1x40x128xf32, #tpu.memory_space<vmem>> -> memref<40x128xf32, #tpu.memory_space<vmem>>
      %dma_wait3A_271 = arith.constant 0 : i32
      %dma_wait3A_272 = tpu.memref_slice %arg5[%dma_wait3A_271] : memref<10000xi32, #tpu.memory_space<vmem>> -> memref<40xi32, #tpu.memory_space<vmem>>
      %dma_wait3A_273 = arith.constant 0 : i32
      %dma_wait3A_274 = arith.constant 0 : i32
      %dma_wait3A_275 = tpu.memref_slice %arg7[%dma_wait3A_273, %dma_wait3A_274] : memref<10000x128xf32, #tpu.memory_space<vmem_shared>> -> memref<10000x128xf32, #tpu.memory_space<vmem_shared>>
      tpu.wait_indirect_dma semaphore(%arg12 : memref<!tpu.dma_semaphore, #tpu.memory_space<semaphore_mem>>) src(%dma_wait3A_275 : memref<10000x128xf32, #tpu.memory_space<vmem_shared>>) dst(%dma_wait3A_270 : memref<40x128xf32, #tpu.memory_space<vmem>>)
      %mul3A_276 = arith.constant 40 : i32
      %mul3A_277 = arith.muli %add3A_258, %mul3A_276 : i32
      %add3A_278 = arith.addi %mul3A_2, %mul3A_277 : i32
      %dma_start3A_279 = arith.constant 4 : i32
      %dma_start3A_280 = arith.constant 0 : i32
      %dma_start3A_281 = arith.constant 0 : i32
      %dma_start3A_282 = tpu.memref_slice %arg6[%dma_start3A_279, %dma_start3A_280, %dma_start3A_281] : memref<5x40x128xf32, #tpu.memory_space<vmem>> -> memref<1x40x128xf32, #tpu.memory_space<vmem>>
      %dma_start3A_283 = tpu.memref_squeeze %dma_start3A_282 : memref<1x40x128xf32, #tpu.memory_space<vmem>> -> memref<40x128xf32, #tpu.memory_space<vmem>>
      %dma_start3A_284 = arith.constant 0 : i32
      %dma_start3A_285 = tpu.memref_slice %arg4[%add3A_278, %dma_start3A_284] : memref<320000x128xf32, #tpu.memory_space<hbm>> -> memref<40x128xf32, #tpu.memory_space<hbm>>
      %dma_start3A_286 = arith.constant 0 : i32
      %dma_start3A_287 = tpu.memref_slice %arg4[%add3A_278, %dma_start3A_286] : memref<320000x128xf32, #tpu.memory_space<hbm>> -> memref<40x128xf32, #tpu.memory_space<hbm>>
      %dma_start3A_288 = arith.constant 0 : i32
      %dma_start3A_289 = arith.constant 0 : i32
      %dma_start3A_290 = tpu.memref_slice %arg6[%dma_start3A_279, %dma_start3A_288, %dma_start3A_289] : memref<5x40x128xf32, #tpu.memory_space<vmem>> -> memref<1x40x128xf32, #tpu.memory_space<vmem>>
      %dma_start3A_291 = tpu.memref_squeeze %dma_start3A_290 : memref<1x40x128xf32, #tpu.memory_space<vmem>> -> memref<40x128xf32, #tpu.memory_space<vmem>>
      tpu.enqueue_dma source(%dma_start3A_291 : memref<40x128xf32, #tpu.memory_space<vmem>>) target(%dma_start3A_287 : memref<40x128xf32, #tpu.memory_space<hbm>>) target_semaphore(%arg17 : memref<!tpu.dma_semaphore, #tpu.memory_space<semaphore_mem>>)
    }
    %scan3A_47 = arith.constant 50 : i32
    %dma_wait3A = arith.constant 0 : i32
    %dma_wait3A_48 = arith.constant 0 : i32
    %dma_wait3A_49 = arith.constant 0 : i32
    %dma_wait3A_50 = tpu.memref_slice %arg6[%dma_wait3A, %dma_wait3A_48, %dma_wait3A_49] : memref<5x40x128xf32, #tpu.memory_space<vmem>> -> memref<1x40x128xf32, #tpu.memory_space<vmem>>
    %dma_wait3A_51 = tpu.memref_squeeze %dma_wait3A_50 : memref<1x40x128xf32, #tpu.memory_space<vmem>> -> memref<40x128xf32, #tpu.memory_space<vmem>>
    %dma_wait3A_52 = arith.constant 0 : i32
    %dma_wait3A_53 = tpu.memref_slice %arg4[%mul3A_2, %dma_wait3A_52] : memref<320000x128xf32, #tpu.memory_space<hbm>> -> memref<40x128xf32, #tpu.memory_space<hbm>>
    %dma_wait3A_54 = arith.constant 0 : i32
    %dma_wait3A_55 = tpu.memref_slice %arg4[%mul3A_2, %dma_wait3A_54] : memref<320000x128xf32, #tpu.memory_space<hbm>> -> memref<40x128xf32, #tpu.memory_space<hbm>>
    %dma_wait3A_56 = arith.constant 0 : i32
    %dma_wait3A_57 = arith.constant 0 : i32
    %dma_wait3A_58 = tpu.memref_slice %arg6[%dma_wait3A, %dma_wait3A_56, %dma_wait3A_57] : memref<5x40x128xf32, #tpu.memory_space<vmem>> -> memref<1x40x128xf32, #tpu.memory_space<vmem>>
    %dma_wait3A_59 = tpu.memref_squeeze %dma_wait3A_58 : memref<1x40x128xf32, #tpu.memory_space<vmem>> -> memref<40x128xf32, #tpu.memory_space<vmem>>
    tpu.wait_dma2 semaphore(%arg13 : memref<!tpu.dma_semaphore, #tpu.memory_space<semaphore_mem>>) src(%dma_wait3A_59 : memref<40x128xf32, #tpu.memory_space<vmem>>) dst(%dma_wait3A_55 : memref<40x128xf32, #tpu.memory_space<hbm>>)
    %dma_wait3A_60 = arith.constant 1 : i32
    %dma_wait3A_61 = arith.constant 0 : i32
    %dma_wait3A_62 = arith.constant 0 : i32
    %dma_wait3A_63 = tpu.memref_slice %arg6[%dma_wait3A_60, %dma_wait3A_61, %dma_wait3A_62] : memref<5x40x128xf32, #tpu.memory_space<vmem>> -> memref<1x40x128xf32, #tpu.memory_space<vmem>>
    %dma_wait3A_64 = tpu.memref_squeeze %dma_wait3A_63 : memref<1x40x128xf32, #tpu.memory_space<vmem>> -> memref<40x128xf32, #tpu.memory_space<vmem>>
    %dma_wait3A_65 = arith.constant 0 : i32
    %dma_wait3A_66 = tpu.memref_slice %arg4[%mul3A_2, %dma_wait3A_65] : memref<320000x128xf32, #tpu.memory_space<hbm>> -> memref<40x128xf32, #tpu.memory_space<hbm>>
    %dma_wait3A_67 = arith.constant 0 : i32
    %dma_wait3A_68 = tpu.memref_slice %arg4[%mul3A_2, %dma_wait3A_67] : memref<320000x128xf32, #tpu.memory_space<hbm>> -> memref<40x128xf32, #tpu.memory_space<hbm>>
    %dma_wait3A_69 = arith.constant 0 : i32
    %dma_wait3A_70 = arith.constant 0 : i32
    %dma_wait3A_71 = tpu.memref_slice %arg6[%dma_wait3A_60, %dma_wait3A_69, %dma_wait3A_70] : memref<5x40x128xf32, #tpu.memory_space<vmem>> -> memref<1x40x128xf32, #tpu.memory_space<vmem>>
    %dma_wait3A_72 = tpu.memref_squeeze %dma_wait3A_71 : memref<1x40x128xf32, #tpu.memory_space<vmem>> -> memref<40x128xf32, #tpu.memory_space<vmem>>
    tpu.wait_dma2 semaphore(%arg14 : memref<!tpu.dma_semaphore, #tpu.memory_space<semaphore_mem>>) src(%dma_wait3A_72 : memref<40x128xf32, #tpu.memory_space<vmem>>) dst(%dma_wait3A_68 : memref<40x128xf32, #tpu.memory_space<hbm>>)
    %dma_wait3A_73 = arith.constant 2 : i32
    %dma_wait3A_74 = arith.constant 0 : i32
    %dma_wait3A_75 = arith.constant 0 : i32
    %dma_wait3A_76 = tpu.memref_slice %arg6[%dma_wait3A_73, %dma_wait3A_74, %dma_wait3A_75] : memref<5x40x128xf32, #tpu.memory_space<vmem>> -> memref<1x40x128xf32, #tpu.memory_space<vmem>>
    %dma_wait3A_77 = tpu.memref_squeeze %dma_wait3A_76 : memref<1x40x128xf32, #tpu.memory_space<vmem>> -> memref<40x128xf32, #tpu.memory_space<vmem>>
    %dma_wait3A_78 = arith.constant 0 : i32
    %dma_wait3A_79 = tpu.memref_slice %arg4[%mul3A_2, %dma_wait3A_78] : memref<320000x128xf32, #tpu.memory_space<hbm>> -> memref<40x128xf32, #tpu.memory_space<hbm>>
    %dma_wait3A_80 = arith.constant 0 : i32
    %dma_wait3A_81 = tpu.memref_slice %arg4[%mul3A_2, %dma_wait3A_80] : memref<320000x128xf32, #tpu.memory_space<hbm>> -> memref<40x128xf32, #tpu.memory_space<hbm>>
    %dma_wait3A_82 = arith.constant 0 : i32
    %dma_wait3A_83 = arith.constant 0 : i32
    %dma_wait3A_84 = tpu.memref_slice %arg6[%dma_wait3A_73, %dma_wait3A_82, %dma_wait3A_83] : memref<5x40x128xf32, #tpu.memory_space<vmem>> -> memref<1x40x128xf32, #tpu.memory_space<vmem>>
    %dma_wait3A_85 = tpu.memref_squeeze %dma_wait3A_84 : memref<1x40x128xf32, #tpu.memory_space<vmem>> -> memref<40x128xf32, #tpu.memory_space<vmem>>
    tpu.wait_dma2 semaphore(%arg15 : memref<!tpu.dma_semaphore, #tpu.memory_space<semaphore_mem>>) src(%dma_wait3A_85 : memref<40x128xf32, #tpu.memory_space<vmem>>) dst(%dma_wait3A_81 : memref<40x128xf32, #tpu.memory_space<hbm>>)
    %dma_wait3A_86 = arith.constant 3 : i32
    %dma_wait3A_87 = arith.constant 0 : i32
    %dma_wait3A_88 = arith.constant 0 : i32
    %dma_wait3A_89 = tpu.memref_slice %arg6[%dma_wait3A_86, %dma_wait3A_87, %dma_wait3A_88] : memref<5x40x128xf32, #tpu.memory_space<vmem>> -> memref<1x40x128xf32, #tpu.memory_space<vmem>>
    %dma_wait3A_90 = tpu.memref_squeeze %dma_wait3A_89 : memref<1x40x128xf32, #tpu.memory_space<vmem>> -> memref<40x128xf32, #tpu.memory_space<vmem>>
    %dma_wait3A_91 = arith.constant 0 : i32
    %dma_wait3A_92 = tpu.memref_slice %arg4[%mul3A_2, %dma_wait3A_91] : memref<320000x128xf32, #tpu.memory_space<hbm>> -> memref<40x128xf32, #tpu.memory_space<hbm>>
    %dma_wait3A_93 = arith.constant 0 : i32
    %dma_wait3A_94 = tpu.memref_slice %arg4[%mul3A_2, %dma_wait3A_93] : memref<320000x128xf32, #tpu.memory_space<hbm>> -> memref<40x128xf32, #tpu.memory_space<hbm>>
    %dma_wait3A_95 = arith.constant 0 : i32
    %dma_wait3A_96 = arith.constant 0 : i32
    %dma_wait3A_97 = tpu.memref_slice %arg6[%dma_wait3A_86, %dma_wait3A_95, %dma_wait3A_96] : memref<5x40x128xf32, #tpu.memory_space<vmem>> -> memref<1x40x128xf32, #tpu.memory_space<vmem>>
    %dma_wait3A_98 = tpu.memref_squeeze %dma_wait3A_97 : memref<1x40x128xf32, #tpu.memory_space<vmem>> -> memref<40x128xf32, #tpu.memory_space<vmem>>
    tpu.wait_dma2 semaphore(%arg16 : memref<!tpu.dma_semaphore, #tpu.memory_space<semaphore_mem>>) src(%dma_wait3A_98 : memref<40x128xf32, #tpu.memory_space<vmem>>) dst(%dma_wait3A_94 : memref<40x128xf32, #tpu.memory_space<hbm>>)
    %dma_wait3A_99 = arith.constant 4 : i32
    %dma_wait3A_100 = arith.constant 0 : i32
    %dma_wait3A_101 = arith.constant 0 : i32
    %dma_wait3A_102 = tpu.memref_slice %arg6[%dma_wait3A_99, %dma_wait3A_100, %dma_wait3A_101] : memref<5x40x128xf32, #tpu.memory_space<vmem>> -> memref<1x40x128xf32, #tpu.memory_space<vmem>>
    %dma_wait3A_103 = tpu.memref_squeeze %dma_wait3A_102 : memref<1x40x128xf32, #tpu.memory_space<vmem>> -> memref<40x128xf32, #tpu.memory_space<vmem>>
    %dma_wait3A_104 = arith.constant 0 : i32
    %dma_wait3A_105 = tpu.memref_slice %arg4[%mul3A_2, %dma_wait3A_104] : memref<320000x128xf32, #tpu.memory_space<hbm>> -> memref<40x128xf32, #tpu.memory_space<hbm>>
    %dma_wait3A_106 = arith.constant 0 : i32
    %dma_wait3A_107 = tpu.memref_slice %arg4[%mul3A_2, %dma_wait3A_106] : memref<320000x128xf32, #tpu.memory_space<hbm>> -> memref<40x128xf32, #tpu.memory_space<hbm>>
    %dma_wait3A_108 = arith.constant 0 : i32
    %dma_wait3A_109 = arith.constant 0 : i32
    %dma_wait3A_110 = tpu.memref_slice %arg6[%dma_wait3A_99, %dma_wait3A_108, %dma_wait3A_109] : memref<5x40x128xf32, #tpu.memory_space<vmem>> -> memref<1x40x128xf32, #tpu.memory_space<vmem>>
    %dma_wait3A_111 = tpu.memref_squeeze %dma_wait3A_110 : memref<1x40x128xf32, #tpu.memory_space<vmem>> -> memref<40x128xf32, #tpu.memory_space<vmem>>
    tpu.wait_dma2 semaphore(%arg17 : memref<!tpu.dma_semaphore, #tpu.memory_space<semaphore_mem>>) src(%dma_wait3A_111 : memref<40x128xf32, #tpu.memory_space<vmem>>) dst(%dma_wait3A_107 : memref<40x128xf32, #tpu.memory_space<hbm>>)
    return
  }
}

module attributes {stable_mosaic.version = 14 : i64} {
  func.func @_dense_body(%arg0: memref<10000x128xf32, #tpu.memory_space<vmem>>, %arg1: memref<128x128xf32, #tpu.memory_space<vmem>>, %arg2: memref<128x128xf32, #tpu.memory_space<vmem>>, %arg3: memref<10000x128xf32, #tpu.memory_space<vmem>>) attributes {dimension_semantics = [], scalar_prefetch = 0 : i64, scratch_operands = 0 : i64, tpu.core_type = #tpu.core_type<tc>} {
    %get3A = arith.constant 0 : index
    %get3A_0 = arith.constant 0 : index
    %get3A_1 = vector.load %arg2[%get3A, %get3A_0] : memref<128x128xf32, #tpu.memory_space<vmem>>, vector<128x128xf32>
    %get3A_2 = arith.constant 0 : index
    %get3A_3 = arith.constant 0 : index
    %get3A_4 = vector.load %arg1[%get3A_2, %get3A_3] : memref<128x128xf32, #tpu.memory_space<vmem>>, vector<128x128xf32>
    %dot_general3A = arith.constant dense<0.000000e+00> : vector<128x128xf32>
    %dot_general3A_5 = tpu.matmul %get3A_1, %get3A_4, %dot_general3A {dimension_numbers = #tpu.dot_dimension_numbers<[1], [0], [0], [1], [0, 0, 1, 1], [], []>, transpose_lhs_hint = false} : vector<128x128xf32>, vector<128x128xf32>, vector<128x128xf32> -> vector<128x128xf32>
    %get3A_6 = arith.constant 0 : index
    %get3A_7 = arith.constant 0 : index
    %get3A_8 = vector.load %arg0[%get3A_6, %get3A_7] : memref<10000x128xf32, #tpu.memory_space<vmem>>, vector<10000x128xf32>
    %dot_general3A_9 = arith.constant dense<0.000000e+00> : vector<10000x128xf32>
    %dot_general3A_10 = tpu.matmul %get3A_8, %dot_general3A_5, %dot_general3A_9 {dimension_numbers = #tpu.dot_dimension_numbers<[1], [1], [0], [0], [0, 0, 1, 0], [], []>, transpose_lhs_hint = false} : vector<10000x128xf32>, vector<128x128xf32>, vector<10000x128xf32> -> vector<10000x128xf32>
    %swap3A = arith.constant 0 : index
    %swap3A_11 = arith.constant 0 : index
    %swap3A_12 = vector.load %arg3[%swap3A, %swap3A_11] : memref<10000x128xf32, #tpu.memory_space<vmem>>, vector<10000x128xf32>
    tpu.vector_store %arg3[%swap3A, %swap3A_11], %dot_general3A_10 {strides = array<i32>} : memref<10000x128xf32, #tpu.memory_space<vmem>>, vector<10000x128xf32>,
    return
  }
}

</mosaic_0001>

<sc_bundles>
// kernel: kernel.4.cloned.1.call-start
scs
__scs_entry_jumppad:
0x0: {  	(pc) =	sbr.rel $0x88, $3  }
0x1: {  	(tag) =	ssettag $0x0;
	lr =	simm.s32 $0x1  }
0x2: {  	[smem:$0x3F9D] =	sst lr;
	_ =	strace $0xD0000000  }
0x3: {  	_ = 	snop  }
0x4: {  	_ = 	snop  }
0x5: {  	_ = 	snop  }
0x6: {  	_ = 	snop  }
0x7: {  	_ = 	snop  }
__scs_overlays_trampoline_lowered:
0x8: {  	[smem:$0x3FAC] =	sst s0  }
0x9: {  	[smem:$0x3FAD] =	sst s1  }
0xa: {  	[smem:$0x3FAE] =	sst s2  }
0xb: {  	[smem:$0x3FAF] =	sst s3  }
0xc: {  	[smem:$0x3FB0] =	sst s4  }
0xd: {  	[smem:$0x3FB1] =	sst s5  }
0xe: {  	[smem:$0x3FB2] =	sst s6  }
0xf: {  	[smem:$0x3FB3] =	sst s7  }
0x10: {  	[smem:$0x3FB4] =	sst s8  }
0x11: {  	[smem:$0x3FB5] =	sst s9;
	s0 =	simm.s32 @!p0 $0x0  }
0x12: {  	s1 =	sld [smem:$0x3F9B];
	s0 =	simm.s32 @p0 $0x1  }
0x13: {  	[smem:$0x3FB6] =	sst s0;
	s0 =	simm.s32 @!p1 $0x0  }
0x14: {  	s2 =	sld [smem:$0x3F9A];
	s0 =	simm.s32 @p1 $0x1  }
0x15: {  	[smem:$0x3FB7] =	sst s0;
	s0 =	simm.s32 @!p2 $0x0  }
0x16: {  	s3 =	sld [smem:$0x3FDB];
	s0 =	simm.s32 @p2 $0x1  }
0x17: {  	s4 =	simm.s32 $0x1BF5;
	[smem:$0x3FB9] =	sst s0  }
0x18: {  	s0 =	sld [smem:$0x3F9C];
	_ =	swait.ge [sflag:s4], $0x0  }
0x19: {  	s7 =	sld [smem:$0x3F9D]  }
0x1a: {  	s8 =	sadd.s32 $0xFFFFE003, lr  }
0x1b: {  	s9 =	sadd.s32 $0xFFFFFEF7, lr;
	s5 =	simm.s32 $0xFFFFFFFF;
	p2 =	slt.u32 s8, $0xFFFFF086  }
0x1c: {  	p1 =	slt.u32 s9, $0xF7A;
	s5 =	simm.s32 @!p2 $0x0  }
0x1d: {  	s5 =	simm.s32 @p1 $0x1;
	p0 =	seq.s32 s7, s2  }
0x1e: {  	s7 =	smul.u32 @!p0 $0xF7A, s2;
	p2 =	seq.s32 @!p0 s5, $0x0  }
0x1f: {  	s9 =	smul.u32 $0xF7A, s1;
	s8 =	simm.s32 @!p0 $0x1BF5;
	p2 =	por !p2, p0  }
0x20: {  	[sflag:s8] =	ssyncset.s32 @!p0 $0xFFFFF086;
	s6 =	sadd.s32 @!p0 s3, s7;
	s7 =	simm.s32 @!p0 $0x108  }
0x21: {  	s3 =	sadd.s32 s3, s9;
	s6 =	sadd.s32 @!p0 $0x88, s6;
	s7 =	simm.s32 @p2 $0x1082  }
0x22: {  	[simem:s7], [sflag:s8] =	dma.local @!p0 [hbm:s6], $0xF7A  }
0x23: {  	s9 =	sor.u32 $0xD0000000, s2;
	s6 =	simm.s32 $0x108;
	_ =	swait.ge @!p0 [sflag:s8], $0x0  }
0x24: {  	s3 =	sadd.s32 $0x88, s3;
	s6 =	simm.s32 @!p1 $0x1082;
	[sflag:s4] =	ssyncset.s32 $0xFFFFF086  }
0x25: {  	[simem:s6], [sflag:s4] =	dma.local [hbm:s3], $0xF7A  }
0x26: {  	[smem:$0x3F9D] =	sst s1;
	(tag) =	ssettag s2;
	_ =	strace s9  }
0x27: {  	s1 =	sld [smem:$0x3FAD]  }
0x28: {  	s2 =	sld [smem:$0x3FAE]  }
0x29: {  	s4 =	sld [smem:$0x3FB0]  }
0x2a: {  	p0 =	seq.s32 s5, $0x0;
	s5 =	sld [smem:$0x3FB1]  }
0x2b: {  	s6 =	sld [smem:$0x3FB2]  }
0x2c: {  	s7 =	sld [smem:$0x3FB3]  }
0x2d: {  	s3 =	simm.s32 $0x108;
	s8 =	sld [smem:$0x3FB4]  }
0x2e: {  	s3 =	simm.s32 @!p0 $0x1082;
	s9 =	sld [smem:$0x3FB5]  }
0x2f: {  	lr =	sadd.s32 s0, s3;
	s0 =	sld [smem:$0x3FAC]  }
0x30: {  	s3 =	sld [smem:$0x3FAF]  }
0x31: {  	[smem:$0x3FB8] =	sst s10  }
0x32: {  	s10 =	sld [smem:$0x3FB6];
	_ =	sdelay $0x3  }
0x33: {  	p0 =	seq.s32 s10, $0x1;
	s10 =	sld [smem:$0x3FB8];
	_ =	sdelay $0x3  }
0x34: {  	[smem:$0x3FB8] =	sst s10  }
0x35: {  	s10 =	sld [smem:$0x3FB7];
	_ =	sdelay $0x3  }
0x36: {  	p1 =	seq.s32 s10, $0x1;
	s10 =	sld [smem:$0x3FB8];
	_ =	sdelay $0x3  }
0x37: {  	[smem:$0x3FB8] =	sst s10  }
0x38: {  	s10 =	sld [smem:$0x3FB9]  }
0x39: {  	_ = 	snop;
	(pc) =	sbr.ind lr, $3  }
0x3a: {  	_ = 	snop  }
0x3b: {  	_ = 	snop  }
0x3c: {  	p2 =	seq.s32 s10, $0x1;
	s10 =	sld [smem:$0x3FB8]  }
0x3d: {  	_ =	shalt  }
0x3e: {  	_ =	shalt  }
0x3f: {  	_ =	shalt  }
0x40: {  	_ =	shalt  }
0x41: {  	_ =	shalt  }
0x42: {  	_ =	shalt  }
0x43: {  	_ =	shalt  }
0x44: {  	_ =	shalt  }
0x45: {  	_ =	shalt  }
0x46: {  	_ =	shalt  }
0x47: {  	_ =	shalt  }
0x48: {  	_ =	shalt  }
0x49: {  	_ =	shalt  }
0x4a: {  	_ =	shalt  }
0x4b: {  	_ =	shalt  }
0x4c: {  	_ =	shalt  }
0x4d: {  	_ =	shalt  }
0x4e: {  	_ =	shalt  }
0x4f: {  	_ =	shalt  }
0x50: {  	_ =	shalt  }
0x51: {  	_ =	shalt  }
0x52: {  	_ =	shalt  }
0x53: {  	_ =	shalt  }
0x54: {  	_ =	shalt  }
0x55: {  	_ =	shalt  }
0x56: {  	_ =	shalt  }
0x57: {  	_ =	shalt  }
0x58: {  	_ =	shalt  }
0x59: {  	_ =	shalt  }
0x5a: {  	_ =	shalt  }
0x5b: {  	_ =	shalt  }
0x5c: {  	_ =	shalt  }
0x5d: {  	_ =	shalt  }
0x5e: {  	_ =	shalt  }
0x5f: {  	_ =	shalt  }
0x60: {  	_ =	shalt  }
0x61: {  	_ =	shalt  }
0x62: {  	_ =	shalt  }
0x63: {  	_ =	shalt  }
0x64: {  	_ =	shalt  }
0x65: {  	_ =	shalt  }
0x66: {  	_ =	shalt  }
0x67: {  	_ =	shalt  }
0x68: {  	_ =	shalt  }
0x69: {  	_ =	shalt  }
0x6a: {  	_ =	shalt  }
0x6b: {  	_ =	shalt  }
0x6c: {  	_ =	shalt  }
0x6d: {  	_ =	shalt  }
0x6e: {  	_ =	shalt  }
0x6f: {  	_ =	shalt  }
0x70: {  	_ =	shalt  }
0x71: {  	_ =	shalt  }
0x72: {  	_ =	shalt  }
0x73: {  	_ =	shalt  }
0x74: {  	_ =	shalt  }
0x75: {  	_ =	shalt  }
0x76: {  	_ =	shalt  }
0x77: {  	_ =	shalt  }
0x78: {  	_ =	shalt  }
0x79: {  	_ =	shalt  }
0x7a: {  	_ =	shalt  }
0x7b: {  	_ =	shalt  }
0x7c: {  	_ =	shalt  }
0x7d: {  	_ =	shalt  }
0x7e: {  	_ =	shalt  }
0x7f: {  	_ =	shalt  }
0x80: {  	_ =	shalt  }
0x81: {  	_ =	shalt  }
0x82: {  	_ =	shalt  }
0x83: {  	_ =	shalt  }
0x84: {  	_ =	shalt  }
0x85: {  	_ =	shalt  }
0x86: {  	_ =	shalt  }
0x87: {  	_ =	shalt  }
.Lfunc_end0:
.L_simem_size_0:
called_computation_lowered:
.L_overlay_start_0:
0x88: {  	s2 =	sld [smem:$0x3FD9]  }
0x89: {  	s3 =	sld [smem:$0x3FFE];
	_ =	sdelay $0x1  }
0x8a: {  	s1 =	srdreg.scid  }
0x8b: {  	s0 =	sand.u32 $0x1, s1  }
0x8c: {  	s17 =	sshll.u32 s0, $0xA;
	s2 =	sadd.s32 s3, s2  }
0x8d: {  	s2 =	sadd.s32 s2, s17  }
0x8e: {  	[smem:$0x3FC4] =	sst s2  }
0x8f: {  	_ = 	snop  }
0x90: {  	s2 =	sld [smem:$0x3FD0];
	(tm) =	ssettm $0x1  }
0x91: {  	s18 =	sld [smem:$0x3FFB];
	_ =	sdelay $0x3  }
0x92: {  	_ =	strace s18  }
0x93: {  	s3 =	sld [smem:$0x3FFC];
	_ =	sdelay $0x3  }
0x94: {  	_ =	strace s3  }
0x95: {  	s3 =	sld [smem:$0x3FFD];
	_ =	sdelay $0x3  }
0x96: {  	_ =	strace s3  }
0x97: {  	_ =	strace $0x8FFFFFFF  }
0x98: {  	s19 =	sld [smem:$0x3FDB];
	_ =	sdelay $0x1  }
0x99: {  	s4 =	simm.s32 $_scs_section_size  }
0x9a: {  	s5 =	simm.s32 $_size__tile_overlayer_lowered;
	s6 =	simm.s32 $_tile_overlayer_lowered  }
0x9b: {  	s22 =	simm.s32 $0x1BFF;
	s21 =	sshll.u32 s6, $0x1;
	s3 =	sadd.s32 s4, s19  }
0x9c: {  	s7 =	simm.s32 $0x0;
	s20 =	sshll.u32 s5, $0x1;
	s5 =	sadd.s32 s21, s3  }
0x9d: {  	[timem:s7], [sflag:s22] =	dma.local [hbm:s5], s20  }
0x9e: {  	_ =	swait.ge [sflag:s22], s20  }
0x9f: {  	s4 =	ssub.s32 $0x0, s20;
	[sflag:s22] =	ssyncset.done $0x0  }
0xa0: {  	[sflag:s22] =	ssyncadd.s32 s4;
	_ =	sdelay $0x1  }
0xa1: {  	s23 =	simm.s32 $0x1B8B  }
0xa2: {  	_ =	swait.ge [sflag:s23], $0x1  }
0xa3: {  	[sflag:s23] =	ssyncset.done $0x0  }
0xa4: {  	s25 =	simm.s32 $0x1B8E;
	s24 =	sld [smem:$0x3FFE];
	[sflag:s23] =	ssyncadd.s32 $0xFFFFFFFF  }
0xa5: {  	s26 =	simm.s32 $execute0_lowered;
	[smem:$0x3FD2] =	sst s25  }
0xa6: {  	s5 =	sshll.u32 s26, $0x1;
	_ =	strace $0x80000046;
	[dreg:$0x1] =	wrdreg $0xFFFFFFFF  }
0xa7: {  	s28 =	simm.s32 $_size_execute0_lowered;
	s3 =	sadd.s32 s3, s5;
	[dreg:$0x0] =	wrdreg $0x0  }
0xa8: {  	s5 =	sshll.u32 s28, $0x1;
	[dreg:$0x2] =	wrdreg s3  }
0xa9: {  	[dreg:$0x3] =	wrdreg s5  }
0xaa: {  	[dreg:$0x4] =	wrdreg $0xC0  }
0xab: {  	_ =	task [dreg:s7], $0x5FFFF  }
0xac: {  	[dreg:$0x1] =	wrdreg $0xFFFFFFFF  }
0xad: {  	[dreg:$0x0] =	wrdreg $0x60  }
0xae: {  	[dreg:$0x2] =	wrdreg s24  }
0xaf: {  	[dreg:$0x3] =	wrdreg s2  }
0xb0: {  	[dreg:$0x4] =	wrdreg $0x8B800  }
0xb1: {  	[dreg:$0x5] =	wrdreg $0x9  }
0xb2: {  	_ =	task.clear_ibuf [dreg:s7], $0x6FFFF;
	_ =	strace $0x90000046  }
0xb3: {  	s29 =	simm.s32 $0x9;
	_ =	strace $0x80000048  }
0xb4: {  	_ =	swait.ge [sflag:s29], $0x1  }
0xb5: {  	[sflag:s29] =	ssyncadd.s32 $0xFFFFFFFF  }
0xb6: {  	_ =	strace $0x90000048  }
0xb7: {  	_ =	sfence  }
0xb8: {  	s30 =	sld [smem:$0x0];
	_ =	sdelay $0x2  }
0xb9: {  	s31 =	sshll.u32 s1, $0xD;
	s1 =	sshrl.u32 s1, $0x2  }
0xba: {  	s3 =	sand.u32 $0x4000, s31;
	s1 =	sadd.s32 s1, s30  }
0xbb: {  	s0 =	sor.u32 s3, s0;
	s1 =	sshll.u32 s1, $0x11  }
0xbc: {  	s0 =	sor.u32 s1, s0  }
0xbd: {  	s0 =	sadd.s32 $0x8F2B, s0  }
0xbe: {  	[sflag:s0] =	ssyncadd.remote.s32 $0x1  }
0xbf: {  	_ =	sfence.sel $0xFFFF  }
0xc0: {  	[dreg:$0x0] =	wrdreg $0xFFFFFFFF;
	(pc) =	sbr.abs _section_cstart, $3  }
0xc1: {  	[dreg:$0x1] =	wrdreg $0xFFFFFFFF  }
0xc2: {  	_ =	task.clear_ibuf [dreg:s7], $0x2FFFF;
	_ =	strace $0x9FFFFFFF  }
0xc3: {  	(tm) =	ssettm $0x7FFFFFFF  }
tec
execute0_lowered:
.L_overlay_start_1:
0x0: {  	(tag) =	ssettag $0x1  }
0x1: {  	s0 =	rddreg [dreg:$0x0]  }
0x2: {  	s1 =	rddreg [dreg:$0x1]  }
0x3: {  	s2 =	rddreg [dreg:$0x2];
	s12 =	stileid.u32  }
0x4: {  	s4 =	srdreg.scid;
	s3 =	simm.s32 $0x0;
	s15 =	simm.s32 $0x4F80  }
0x5: {  	s18 =	simm.s32 $0x7780;
	s19 =	simm.s32 $0x1;
	s5 =	smul.u32 $0x3E80, s12  }
0x6: {  	s28 =	simm.s32 $0x0;
	s7 =	sand.u32 $0x1, s4;
	s9 =	smul.u32 $0x7D000, s12  }
0x7: {  	s20 =	sshll.u32 s12, $0x1;
	[smem:$0x7FF] =	sst s3;
	s26 =	smul.u32 $0x4E200, s12  }
0x8: {  	p0 =	sgt.u32 s12, $0x9;
	s4 =	sor.u32 s7, s20;
	_ =	strace $0x80000047  }
0x9: {  	s8 =	ssub.s32 $0x2, s7;
	s30 =	smul.u32 $0x27100, s7;
	s20 =	simm.s32 $0x3  }
0xa: {  	s6 =	smul.u32 $0x2710, s4;
	s5 =	sadd.s32 s5, s0;
	s10 =	sshrl.u32 s8, $0x1  }
0xb: {  	s11 =	smul.u32 $0x27100, s4;
	s22 =	sshrl.u32 s9, $0x2;
	s21 =	ssub.s32 s8, s10  }
0xc: {  	s9 =	sadd.s32 s22, s2;
	s23 =	sadd.s32 $0xA600, s5;
	s22 =	simm.s32 $0x6  }
0xd: {  	s6 =	sshrl.u32 s6, $0x3;
	[dreg:$0x6] =	wrdreg s23;
	s24 =	sadd.s32 s1, s11  }
0xe: {  	s29 =	smax.u32 s21, $0x1;
	s1 =	sadd.s32 s26, s1;
	s11 =	simm.s32 $0x28  }
0xf: {  	s21 =	simm.s32 $0x5;
	s23 =	simm.s32 $0x7;
	s26 =	simm.s32 $0xA  }
0x10: {  	s0 =	sadd.s32 s6, s0;
	s25 =	sadd.s32 $0x26700, s24;
	[dreg:$0x8] =	wrdreg s29  }
0x11: {  	s31 =	sadd.s32 $0x26C00, s24;
	s0 =	sadd.s32 $0x800, s0;
	[dreg:$0x4] =	wrdreg s25  }
0x12: {  	[dreg:$0x7] =	wrdreg s0;
	s0 =	sadd.s32 s30, s1;
	s1 =	sshll.u32 @!p0 s12, $0x6  }
0x13: {  	[dreg:$0x5] =	wrdreg s31;
	s7 =	sadd.s32 $0x500, s0;
	s0 =	sor.u32 @!p0 $0x1C0B, s1  }
0x14: {  	s24 =	simm.s32 $0x8;
	[dreg:$0x9] =	wrdreg s0;
	s0 =	sshrl.u32 @!p0 s9, $0x3  }
0x15: {  	s25 =	simm.s32 $0x9;
	s12 =	simm.s32 $0x2780;
	[dreg:$0xa] =	wrdreg s0  }
.LBB2_1:
0x16: {  	s0 =	rddreg [dreg:$0x6]  }
0x17: {  	s1 =	rddreg [dreg:$0x9]  }
0x18: {  	s4 =	rddreg [dreg:$0xa]  }
0x19: {  	[spmem:s4], [sflag:s1] =	dma.local @!p0 [hbm:s0], $0x3E80  }
0x1a: {  	s0 =	simm.s32 @!p0 $0xB  }
0x1b: {  	_ =	swait.ge @!p0 [sflag:s0], $0x3E80  }
0x1c: {  	[sflag:s0] =	ssyncset.done @!p0 $0x0  }
0x1d: {  	s8 =	simm.s32 $0xB;
	s6 =	rddreg [dreg:$0x7];
	[sflag:s0] =	ssyncadd.s32 @!p0 $0xFFFFC180  }
0x1e: {  	[tilespmem:s3], [sflag:$0xB] =	stream.linear.gather [hbm4b:s6+s3], $0x2710, $0x38;
	[tilespmem:$0x1C400] =	vst v63  }
0x1f: {  	_ =	swait.ge [sflag:s8], $0x2710  }
0x20: {  	[sflag:s8] =	ssyncset.done $0x0  }
0x21: {  	[sflag:s8] =	ssyncadd.s32 $0xFFFFD8F0  }
0x22: {  	[bflag:$0x0] =	sbarrier.arrive $0xFFFF  }
0x23: {  	[tilespmem:s12], [sflag:$0x1] =	stream.indirect.gather [spmem:s2], $0x80, s3, s11, $0xb8;
	[tilespmem:$0x1C400] =	vst v63  }
0x24: {  	s9 =	simm.s32 $0x3B80  }
0x25: {  	[tilespmem:s9], [sflag:$0x2] =	stream.indirect.gather [spmem:s2], $0x80, s11, s11, $0xb8;
	[tilespmem:$0x1C400] =	vst v63  }
0x26: {  	s10 =	simm.s32 $0x50;
	p1 =	por $0x1, $0x1  }
0x27: {  	[tilespmem:s15], [sflag:$0x3] =	stream.indirect.gather [spmem:s2], $0x80, s10, s11, $0xb8;
	[tilespmem:$0x1C400] =	vst v63  }
0x28: {  	s13 =	simm.s32 $0x78;
	s14 =	simm.s32 $0x6380;
	s0 =	simm.s32 @!p1 $0xA  }
0x29: {  	[tilespmem:s14], [sflag:$0x4] =	stream.indirect.gather [spmem:s2], $0x80, s13, s11, $0xb8;
	[tilespmem:$0x1C400] =	vst v63  }
0x2a: {  	_ =	swait.ge @!p1 [sflag:s0], $0x1400  }
0x2b: {  	[sflag:s0] =	ssyncset.done @!p1 $0x0  }
0x2c: {  	s16 =	simm.s32 $0xA0;
	[sflag:s0] =	ssyncadd.s32 @!p1 $0xFFFFEC00  }
0x2d: {  	[tilespmem:s18], [sflag:$0x5] =	stream.indirect.gather [spmem:s2], $0x80, s16, s11, $0xb8;
	[tilespmem:$0x1C400] =	vst v63  }
0x2e: {  	_ =	swait.ge [sflag:s19], $0x1400  }
0x2f: {  	p1 =	por $0x0, $0x0;
	[sflag:s19] =	ssyncset.done $0x0  }
0x30: {  	s17 =	sadd.s32 $0xFFFFFB00, s7;
	s1 =	simm.s32 @p1 $0x2;
	[sflag:s19] =	ssyncadd.s32 $0xFFFFEC00  }
0x31: {  	[hbm4b:s17+s3] =	stream.linear.scatter [tilespmem:s12], [sflag:$0x6], $0x1400, $0x38;
	[tilespmem:$0x1C400] =	vst v63  }
0x32: {  	_ =	swait.ge @p1 [sflag:s1], $0x1400  }
0x33: {  	s13 =	simm.s32 @p1 $0x3B80;
	s14 =	simm.s32 @!p1 $0x6;
	[sflag:s1] =	ssyncset.done @p1 $0x0  }
0x34: {  	s0 =	rddreg [dreg:$0x4];
	[sflag:s1] =	ssyncadd.s32 @p1 $0xFFFFEC00;
	s1 =	simm.s32 @p1 $0x0  }
0x35: {  	[hbm4b:s0+s1] =	stream.linear.scatter @p1 [tilespmem:s13], [sflag:$0x7], $0x1400, $0x38;
	[tilespmem:$0x1C400] =	vst v63  }
0x36: {  	_ =	swait.ge @!p1 [sflag:s14], $0x1400  }
0x37: {  	s16 =	simm.s32 @!p1 $0x2780;
	s0 =	simm.s32 @!p1 $0xC8;
	[sflag:s14] =	ssyncset.done @!p1 $0x0  }
0x38: {  	s13 =	simm.s32 @!p1 $0x28;
	[sflag:s14] =	ssyncadd.s32 @!p1 $0xFFFFEC00;
	s14 =	simm.s32 @!p1 $0x2  }
0x39: {  	[tilespmem:s16], [sflag:$0x1] =	stream.indirect.gather @!p1 [spmem:s2], $0x80, s0, s13, $0xb8;
	[tilespmem:$0x1C400] =	vst v63  }
0x3a: {  	_ =	swait.ge @!p1 [sflag:s14], $0x1400  }
0x3b: {  	s17 =	simm.s32 @!p1 $0x0;
	s0 =	simm.s32 @!p1 $0x3B80;
	[sflag:s14] =	ssyncset.done @!p1 $0x0  }
0x3c: {  	s16 =	sadd.s32 @!p1 $0xFFFFFD80, s7;
	[sflag:s14] =	ssyncadd.s32 @!p1 $0xFFFFEC00;
	s14 =	simm.s32 @!p1 $0x7  }
0x3d: {  	[hbm4b:s16+s17] =	stream.linear.scatter @!p1 [tilespmem:s0], [sflag:$0x7], $0x1400, $0x38;
	[tilespmem:$0x1C400] =	vst v63  }
0x3e: {  	_ =	swait.ge @!p1 [sflag:s14], $0x1400  }
0x3f: {  	[sflag:s14] =	ssyncset.done @!p1 $0x0  }
0x40: {  	s16 =	simm.s32 @!p1 $0xF0;
	[sflag:s14] =	ssyncadd.s32 @!p1 $0xFFFFEC00  }
0x41: {  	[tilespmem:s0], [sflag:$0x2] =	stream.indirect.gather @!p1 [spmem:s2], $0x80, s16, s13, $0xb8;
	[tilespmem:$0x1C400] =	vst v63  }
0x42: {  	_ =	swait.ge [sflag:s20], $0x1400  }
0x43: {  	[sflag:s20] =	ssyncset.done $0x0  }
0x44: {  	s0 =	simm.s32 @p1 $0x4;
	[sflag:s20] =	ssyncadd.s32 $0xFFFFEC00  }
0x45: {  	[hbm4b:s7+s3] =	stream.linear.scatter [tilespmem:s15], [sflag:$0x8], $0x1400, $0x38;
	[tilespmem:$0x1C400] =	vst v63  }
0x46: {  	_ =	swait.ge @p1 [sflag:s0], $0x1400  }
0x47: {  	s16 =	simm.s32 @!p1 $0x8;
	[sflag:s0] =	ssyncset.done @p1 $0x0  }
0x48: {  	s14 =	rddreg [dreg:$0x5];
	[sflag:s0] =	ssyncadd.s32 @p1 $0xFFFFEC00;
	s0 =	simm.s32 @p1 $0x6380  }
0x49: {  	[hbm4b:s14+s1] =	stream.linear.scatter @p1 [tilespmem:s0], [sflag:$0x9], $0x1400, $0x38;
	[tilespmem:$0x1C400] =	vst v63  }
0x4a: {  	_ =	swait.ge @!p1 [sflag:s16], $0x1400  }
0x4b: {  	s0 =	simm.s32 @!p1 $0x118;
	[sflag:s16] =	ssyncset.done @!p1 $0x0  }
0x4c: {  	s1 =	simm.s32 @!p1 $0x4F80;
	s14 =	simm.s32 @!p1 $0x4;
	[sflag:s16] =	ssyncadd.s32 @!p1 $0xFFFFEC00  }
0x4d: {  	[tilespmem:s1], [sflag:$0x3] =	stream.indirect.gather @!p1 [spmem:s2], $0x80, s0, s13, $0xb8;
	[tilespmem:$0x1C400] =	vst v63  }
0x4e: {  	_ =	swait.ge @!p1 [sflag:s14], $0x1400  }
0x4f: {  	s0 =	sadd.s32 @!p1 $0x280, s7;
	[sflag:s14] =	ssyncset.done @!p1 $0x0  }
0x50: {  	s1 =	simm.s32 @!p1 $0x6380;
	[sflag:s14] =	ssyncadd.s32 @!p1 $0xFFFFEC00;
	s14 =	simm.s32 @!p1 $0x9  }
0x51: {  	[hbm4b:s0+s17] =	stream.linear.scatter @!p1 [tilespmem:s1], [sflag:$0x9], $0x1400, $0x38;
	[tilespmem:$0x1C400] =	vst v63  }
0x52: {  	_ =	swait.ge @!p1 [sflag:s14], $0x1400  }
0x53: {  	s31 =	simm.s32 $0x320;
	[sflag:s14] =	ssyncset.done @!p1 $0x0  }
0x54: {  	s30 =	sadd.s32 $0xC80, s7;
	s0 =	simm.s32 @!p1 $0x140;
	[sflag:s14] =	ssyncadd.s32 @!p1 $0xFFFFEC00  }
0x55: {  	[tilespmem:s1], [sflag:$0x4] =	stream.indirect.gather @!p1 [spmem:s2], $0x80, s0, s13, $0xb8;
	[tilespmem:$0x1C400] =	vst v63  }
0x56: {  	p2 =	por $0x0, $0x0;
	s29 =	sadd.s32 $0x500, s30;
	s0 =	sadd.s32 $0x500, s7  }
0x57: {  	s1 =	simm.s32 $0x640;
	s13 =	sadd.s32 $0xC80, s30;
	_ =	swait.ge [sflag:s21], $0x1400  }
.LBB2_2:
0x58: {  	[sflag:s21] =	ssyncset.done $0x0  }
0x59: {  	s14 =	simm.s32 @!p2 $0xA;
	[sflag:s21] =	ssyncadd.s32 $0xFFFFEC00  }
0x5a: {  	[hbm4b:s0+s3] =	stream.linear.scatter [tilespmem:s18], [sflag:$0xA], $0x1400, $0x38;
	[tilespmem:$0x1C400] =	vst v63  }
0x5b: {  	_ =	swait.ge @!p2 [sflag:s14], $0x1400  }
0x5c: {  	s16 =	smov.u32 s1;
	s4 =	sshra.s32 s31, $0x2;
	[sflag:s14] =	ssyncset.done @!p2 $0x0  }
0x5d: {  	s17 =	sadd.s32 $0x500, s13;
	s4 =	sadd.s32 $0xA0, s4;
	[sflag:s14] =	ssyncadd.s32 @!p2 $0xFFFFEC00  }
0x5e: {  	[tilespmem:s18], [sflag:$0x5] =	stream.indirect.gather [spmem:s2], $0x80, s4, s11, $0xb8;
	[tilespmem:$0x1C400] =	vst v63  }
0x5f: {  	s0 =	smov.u32 s29;
	s29 =	smov.u32 s17;
	_ =	swait.ge [sflag:s19], $0x1400  }
0x60: {  	s17 =	sadd.s32 $0xFFFFFB00, s30;
	p2 =	seq.s32 s31, $0x9920;
	[sflag:s19] =	ssyncset.done $0x0  }
0x61: {  	s14 =	simm.s32 @p2 $0x2;
	s31 =	sshra.s32 @!p2 s31, $0x2;
	[sflag:s19] =	ssyncadd.s32 $0xFFFFEC00  }
0x62: {  	[hbm4b:s17+s3] =	stream.linear.scatter [tilespmem:s12], [sflag:$0x6], $0x1400, $0x38;
	[tilespmem:$0x1C400] =	vst v63  }
0x63: {  	s8 =	simm.s32 @p2 $0x0;
	s9 =	simm.s32 @p2 $0x3B80;
	_ =	swait.ge @p2 [sflag:s14], $0x1400  }
0x64: {  	s10 =	simm.s32 @!p2 $0x6;
	s4 =	sadd.s32 @!p2 $0xC8, s31;
	[sflag:s14] =	ssyncset.done @p2 $0x0  }
0x65: {  	s5 =	sadd.s32 @!p2 $0xF0, s31;
	s6 =	rddreg [dreg:$0x4];
	[sflag:s14] =	ssyncadd.s32 @p2 $0xFFFFEC00  }
0x66: {  	[hbm4b:s6+s8] =	stream.linear.scatter @p2 [tilespmem:s9], [sflag:$0x7], $0x1400, $0x38;
	[tilespmem:$0x1C400] =	vst v63  }
0x67: {  	s17 =	sadd.s32 @!p2 $0x118, s31;
	s14 =	sadd.s32 @!p2 $0x140, s31;
	_ =	swait.ge @!p2 [sflag:s10], $0x1400  }
0x68: {  	s31 =	smov.u32 s16;
	s16 =	simm.s32 @!p2 $0x28;
	[sflag:s10] =	ssyncset.done @!p2 $0x0  }
0x69: {  	s6 =	simm.s32 @!p2 $0x2780;
	s9 =	simm.s32 @!p2 $0x2;
	[sflag:s10] =	ssyncadd.s32 @!p2 $0xFFFFEC00  }
0x6a: {  	[tilespmem:s6], [sflag:$0x1] =	stream.indirect.gather @!p2 [spmem:s2], $0x80, s4, s16, $0xb8;
	[tilespmem:$0x1C400] =	vst v63  }
0x6b: {  	_ =	swait.ge @!p2 [sflag:s9], $0x1400  }
0x6c: {  	s10 =	simm.s32 @!p2 $0x0;
	s4 =	simm.s32 @!p2 $0x3B80;
	[sflag:s9] =	ssyncset.done @!p2 $0x0  }
0x6d: {  	s6 =	sadd.s32 @!p2 $0xFFFFFD80, s30;
	[sflag:s9] =	ssyncadd.s32 @!p2 $0xFFFFEC00;
	s9 =	simm.s32 @!p2 $0x7  }
0x6e: {  	[hbm4b:s6+s10] =	stream.linear.scatter @!p2 [tilespmem:s4], [sflag:$0x7], $0x1400, $0x38;
	[tilespmem:$0x1C400] =	vst v63  }
0x6f: {  	_ =	swait.ge @!p2 [sflag:s9], $0x1400  }
0x70: {  	[sflag:s9] =	ssyncset.done @!p2 $0x0  }
0x71: {  	[sflag:s9] =	ssyncadd.s32 @!p2 $0xFFFFEC00  }
0x72: {  	[tilespmem:s4], [sflag:$0x2] =	stream.indirect.gather @!p2 [spmem:s2], $0x80, s5, s16, $0xb8;
	[tilespmem:$0x1C400] =	vst v63  }
0x73: {  	_ =	swait.ge [sflag:s20], $0x1400  }
0x74: {  	[sflag:s20] =	ssyncset.done $0x0  }
0x75: {  	s4 =	simm.s32 @p2 $0x4;
	[sflag:s20] =	ssyncadd.s32 $0xFFFFEC00  }
0x76: {  	[hbm4b:s30+s3] =	stream.linear.scatter [tilespmem:s15], [sflag:$0x8], $0x1400, $0x38;
	[tilespmem:$0x1C400] =	vst v63  }
0x77: {  	_ =	swait.ge @p2 [sflag:s4], $0x1400  }
0x78: {  	s6 =	simm.s32 @!p2 $0x8;
	[sflag:s4] =	ssyncset.done @p2 $0x0  }
0x79: {  	s5 =	rddreg [dreg:$0x5];
	[sflag:s4] =	ssyncadd.s32 @p2 $0xFFFFEC00;
	s4 =	simm.s32 @p2 $0x6380  }
0x7a: {  	[hbm4b:s5+s8] =	stream.linear.scatter @p2 [tilespmem:s4], [sflag:$0x9], $0x1400, $0x38;
	[tilespmem:$0x1C400] =	vst v63  }
0x7b: {  	_ =	swait.ge @!p2 [sflag:s6], $0x1400  }
0x7c: {  	[sflag:s6] =	ssyncset.done @!p2 $0x0  }
0x7d: {  	s4 =	simm.s32 @!p2 $0x4F80;
	s5 =	simm.s32 @!p2 $0x4;
	[sflag:s6] =	ssyncadd.s32 @!p2 $0xFFFFEC00  }
0x7e: {  	[tilespmem:s4], [sflag:$0x3] =	stream.indirect.gather @!p2 [spmem:s2], $0x80, s17, s16, $0xb8;
	[tilespmem:$0x1C400] =	vst v63  }
0x7f: {  	s1 =	sadd.s32 $0x320, s1;
	_ =	swait.ge @!p2 [sflag:s5], $0x1400  }
0x80: {  	p1 =	sne.s32 s1, $0x9C40;
	s6 =	simm.s32 @!p2 $0x6380;
	[sflag:s5] =	ssyncset.done @!p2 $0x0  }
0x81: {  	s4 =	sadd.s32 @!p2 $0x280, s30;
	[sflag:s5] =	ssyncadd.s32 @!p2 $0xFFFFEC00;
	s5 =	simm.s32 @!p2 $0x9  }
0x82: {  	[hbm4b:s4+s10] =	stream.linear.scatter @!p2 [tilespmem:s6], [sflag:$0x9], $0x1400, $0x38;
	[tilespmem:$0x1C400] =	vst v63  }
.Ltmp0:
0x83: {  	_ =	swait.ge @!p2 [sflag:s5], $0x1400;
	(pc) =	sbr.rel @p1 .LBB2_2-.Ltmp0, $4  }
0x84: {  	[sflag:s5] =	ssyncset.done @!p2 $0x0  }
0x85: {  	s30 =	smov.u32 s13;
	[sflag:s5] =	ssyncadd.s32 @!p2 $0xFFFFEC00  }
0x86: {  	[tilespmem:s6], [sflag:$0x4] =	stream.indirect.gather @!p2 [spmem:s2], $0x80, s14, s16, $0xb8;
	[tilespmem:$0x1C400] =	vst v63  }
0x87: {  	s13 =	sadd.s32 $0xC80, s13;
	p2 =	seq.s32 s31, $0x0;
	_ =	swait.ge [sflag:s21], $0x1400  }
0x88: {  	[sflag:s21] =	ssyncset.done $0x0  }
0x89: {  	s1 =	simm.s32 @!p2 $0xA;
	[sflag:s21] =	ssyncadd.s32 $0xFFFFEC00  }
0x8a: {  	[hbm4b:s0+s3] =	stream.linear.scatter [tilespmem:s18], [sflag:$0xA], $0x1400, $0x38;
	[tilespmem:$0x1C400] =	vst v63  }
0x8b: {  	_ =	swait.ge @!p2 [sflag:s1], $0x1400  }
0x8c: {  	s16 =	sshra.s32 s31, $0x2;
	[sflag:s1] =	ssyncset.done @!p2 $0x0  }
0x8d: {  	s0 =	sadd.s32 $0xA0, s16;
	[sflag:s1] =	ssyncadd.s32 @!p2 $0xFFFFEC00  }
0x8e: {  	[tilespmem:s18], [sflag:$0x5] =	stream.indirect.gather [spmem:s2], $0x80, s0, s11, $0xb8;
	[tilespmem:$0x1C400] =	vst v63  }
0x8f: {  	_ =	swait.ge [sflag:s19], $0x1400  }
0x90: {  	p1 =	seq.s32 s31, $0x9920;
	[sflag:s19] =	ssyncset.done $0x0  }
0x91: {  	s17 =	sadd.s32 $0xFFFFFB00, s30;
	s1 =	simm.s32 @p1 $0x2;
	[sflag:s19] =	ssyncadd.s32 $0xFFFFEC00  }
0x92: {  	[hbm4b:s17+s3] =	stream.linear.scatter [tilespmem:s12], [sflag:$0x6], $0x1400, $0x38;
	[tilespmem:$0x1C400] =	vst v63  }
0x93: {  	_ =	swait.ge @p1 [sflag:s1], $0x1400  }
0x94: {  	s4 =	simm.s32 @p1 $0x3B80;
	s5 =	simm.s32 @!p1 $0x6;
	[sflag:s1] =	ssyncset.done @p1 $0x0  }
0x95: {  	s0 =	rddreg [dreg:$0x4];
	[sflag:s1] =	ssyncadd.s32 @p1 $0xFFFFEC00;
	s1 =	simm.s32 @p1 $0x0  }
0x96: {  	[hbm4b:s0+s1] =	stream.linear.scatter @p1 [tilespmem:s4], [sflag:$0x7], $0x1400, $0x38;
	[tilespmem:$0x1C400] =	vst v63  }
0x97: {  	s6 =	simm.s32 @!p1 $0x28;
	_ =	swait.ge @!p1 [sflag:s5], $0x1400  }
0x98: {  	s8 =	simm.s32 @!p1 $0x2780;
	s0 =	sshra.s32 @!p1 s31, $0x2;
	[sflag:s5] =	ssyncset.done @!p1 $0x0  }
0x99: {  	s4 =	sadd.s32 @!p1 $0xC8, s0;
	[sflag:s5] =	ssyncadd.s32 @!p1 $0xFFFFEC00;
	s5 =	simm.s32 @!p1 $0x2  }
0x9a: {  	[tilespmem:s8], [sflag:$0x1] =	stream.indirect.gather @!p1 [spmem:s2], $0x80, s4, s6, $0xb8;
	[tilespmem:$0x1C400] =	vst v63  }
0x9b: {  	_ =	swait.ge @!p1 [sflag:s5], $0x1400  }
0x9c: {  	s4 =	simm.s32 @!p1 $0x3B80;
	[sflag:s5] =	ssyncset.done @!p1 $0x0  }
0x9d: {  	s8 =	sadd.s32 @!p1 $0xFFFFFD80, s30;
	[sflag:s5] =	ssyncadd.s32 @!p1 $0xFFFFEC00;
	s5 =	simm.s32 @!p1 $0x0  }
0x9e: {  	[hbm4b:s8+s5] =	stream.linear.scatter @!p1 [tilespmem:s4], [sflag:$0x7], $0x1400, $0x38;
	[tilespmem:$0x1C400] =	vst v63  }
0x9f: {  	s8 =	simm.s32 @!p1 $0x7  }
0xa0: {  	_ =	swait.ge @!p1 [sflag:s8], $0x1400  }
0xa1: {  	[sflag:s8] =	ssyncset.done @!p1 $0x0  }
0xa2: {  	[sflag:s8] =	ssyncadd.s32 @!p1 $0xFFFFEC00;
	s8 =	sadd.s32 @!p1 $0xF0, s0  }
0xa3: {  	[tilespmem:s4], [sflag:$0x2] =	stream.indirect.gather @!p1 [spmem:s2], $0x80, s8, s6, $0xb8;
	[tilespmem:$0x1C400] =	vst v63  }
0xa4: {  	_ =	swait.ge [sflag:s20], $0x1400  }
0xa5: {  	[sflag:s20] =	ssyncset.done $0x0  }
0xa6: {  	s4 =	simm.s32 @p1 $0x4;
	[sflag:s20] =	ssyncadd.s32 $0xFFFFEC00  }
0xa7: {  	[hbm4b:s30+s3] =	stream.linear.scatter [tilespmem:s15], [sflag:$0x8], $0x1400, $0x38;
	[tilespmem:$0x1C400] =	vst v63  }
0xa8: {  	_ =	swait.ge @p1 [sflag:s4], $0x1400  }
0xa9: {  	[sflag:s4] =	ssyncset.done @p1 $0x0  }
0xaa: {  	s8 =	rddreg [dreg:$0x5];
	[sflag:s4] =	ssyncadd.s32 @p1 $0xFFFFEC00;
	s4 =	simm.s32 @p1 $0x6380  }
0xab: {  	[hbm4b:s8+s1] =	stream.linear.scatter @p1 [tilespmem:s4], [sflag:$0x9], $0x1400, $0x38;
	[tilespmem:$0x1C400] =	vst v63  }
0xac: {  	s1 =	simm.s32 @!p1 $0x8  }
0xad: {  	_ =	swait.ge @!p1 [sflag:s1], $0x1400  }
0xae: {  	[sflag:s1] =	ssyncset.done @!p1 $0x0  }
0xaf: {  	s4 =	sadd.s32 @!p1 $0x118, s0;
	[sflag:s1] =	ssyncadd.s32 @!p1 $0xFFFFEC00;
	s1 =	simm.s32 @!p1 $0x4F80  }
0xb0: {  	[tilespmem:s1], [sflag:$0x3] =	stream.indirect.gather @!p1 [spmem:s2], $0x80, s4, s6, $0xb8;
	[tilespmem:$0x1C400] =	vst v63  }
0xb1: {  	s1 =	simm.s32 @!p1 $0x4  }
0xb2: {  	_ =	swait.ge @!p1 [sflag:s1], $0x1400  }
0xb3: {  	[sflag:s1] =	ssyncset.done @!p1 $0x0  }
0xb4: {  	s4 =	sadd.s32 @!p1 $0x280, s30;
	[sflag:s1] =	ssyncadd.s32 @!p1 $0xFFFFEC00;
	s1 =	simm.s32 @!p1 $0x6380  }
0xb5: {  	[hbm4b:s4+s5] =	stream.linear.scatter @!p1 [tilespmem:s1], [sflag:$0x9], $0x1400, $0x38;
	[tilespmem:$0x1C400] =	vst v63  }
0xb6: {  	s4 =	simm.s32 @!p1 $0x9  }
0xb7: {  	_ =	swait.ge @!p1 [sflag:s4], $0x1400  }
0xb8: {  	[sflag:s4] =	ssyncset.done @!p1 $0x0  }
0xb9: {  	s0 =	sadd.s32 @!p1 $0x140, s0;
	[sflag:s4] =	ssyncadd.s32 @!p1 $0xFFFFEC00  }
0xba: {  	[tilespmem:s1], [sflag:$0x4] =	stream.indirect.gather @!p1 [spmem:s2], $0x80, s0, s6, $0xb8;
	[tilespmem:$0x1C400] =	vst v63  }
0xbb: {  	_ =	swait.ge [sflag:s21], $0x1400  }
0xbc: {  	[sflag:s21] =	ssyncset.done $0x0  }
0xbd: {  	[sflag:s21] =	ssyncadd.s32 $0xFFFFEC00  }
0xbe: {  	[hbm4b:s29+s3] =	stream.linear.scatter [tilespmem:s18], [sflag:$0xA], $0x1400, $0x38;
	[tilespmem:$0x1C400] =	vst v63  }
0xbf: {  	_ =	swait.ge [sflag:s22], $0x1400  }
0xc0: {  	[sflag:s22] =	ssyncset.done $0x0  }
0xc1: {  	[sflag:s22] =	ssyncadd.s32 $0xFFFFEC00  }
0xc2: {  	_ =	swait.ge [sflag:s23], $0x1400  }
0xc3: {  	[sflag:s23] =	ssyncset.done $0x0  }
0xc4: {  	[sflag:s23] =	ssyncadd.s32 $0xFFFFEC00  }
0xc5: {  	_ =	swait.ge [sflag:s24], $0x1400  }
0xc6: {  	[sflag:s24] =	ssyncset.done $0x0  }
0xc7: {  	[sflag:s24] =	ssyncadd.s32 $0xFFFFEC00  }
0xc8: {  	_ =	swait.ge [sflag:s25], $0x1400  }
0xc9: {  	[sflag:s25] =	ssyncset.done $0x0  }
0xca: {  	[sflag:s25] =	ssyncadd.s32 $0xFFFFEC00  }
0xcb: {  	_ =	swait.ge [sflag:s26], $0x1400  }
0xcc: {  	s28 =	sadd.s32 $0x1, s28;
	s31 =	rddreg [dreg:$0x8]  }
0xcd: {  	p1 =	sne.s32 s28, s31  }
.Ltmp1:
0xce: {  	_ = 	snop;
	(pc) =	sbr.rel @p1 .LBB2_1-.Ltmp1, $3  }
0xcf: {  	_ =	sdelay $0x1  }
0xd0: {  	[sflag:s26] =	ssyncset.done $0x0  }
0xd1: {  	[sflag:s26] =	ssyncadd.s32 $0xFFFFEC00  }
0xd2: {  	_ =	sfence.sel $0x180000  }
0xd3: {  	[bflag:$0x0] =	sbarrier.arrive $0xFFFF  }
0xd4: {  	_ =	strace $0x90000047  }
0xd5: {  	s0 =	stileid.u32;
	[bflag:$0x2] =	sbarrier.arrive $0xFFFF  }
0xd6: {  	p0 =	sne.s32 s0, $0x0;
	s0 =	rddreg [dreg:$0x3]  }
0xd7: {  	s0 =	sadd.s32 @!p0 $0x100000, s0  }
0xd8: {  	[sflag:s0] =	ssyncadd.tile.s32 @!p0 $0x1;
	_ =	shalt  }
.Lfunc_end2:
_tile_overlayer_lowered:
.L_overlay_start_2:
0xd9: {  	(tag) =	ssettag $0x2  }
0xda: {  	s0 =	rddreg [dreg:$0x0];
	s2 =	stileid.u32  }
0xdb: {  	s1 =	rddreg [dreg:$0x1];
	p0 =	sne.s32 s2, $0x0  }
0xdc: {  	s3 =	rddreg [dreg:$0x2];
	[bflag:$0x3] =	sbarrier.arrive $0xFFFF;
	s2 =	simm.s32 @!p0 $0x1C0B  }
0xdd: {  	[timem:s3], [sflag:s2] =	dma.local @!p0 [hbm:s0], s1  }
0xde: {  	s0 =	simm.s32 @!p0 $0xB  }
0xdf: {  	_ =	swait.ge @!p0 [sflag:s0], s1  }
0xe0: {  	s1 =	ssub.s32 @!p0 $0x0, s1;
	[sflag:s0] =	ssyncset.done @!p0 $0x0  }
0xe1: {  	[sflag:s0] =	ssyncadd.s32 @!p0 s1  }
0xe2: {  	[bflag:$0x3] =	sbarrier.arrive $0xFFFF  }
0xe3: {  	_ =	shalt  }

</sc_bundles>
